<compile_context>
chip_gen: v7x
topology: tpu7x:2x2x1
jax: 0.10.2.dev20260603
libtpu: 0.0.44.dev20260713+nightly
codegen_flags: <defaults>
</compile_context>

<pallas_src>
import functools

import jax
import jax.numpy as jnp
from jax import lax
from jax.experimental import pallas as pl
from jax.experimental.pallas import tpu as pltpu
from jax.experimental.pallas import tpu_sc as plsc

_CHUNK = 128


@functools.cache
def _build(n_user, n_item, batch, d):
    info = plsc.get_sparse_core_info()
    nw = info.num_cores * info.num_subcores
    nc = info.num_cores
    b_per_w = batch // nw
    n_chunks = b_per_w // _CHUNK
    mesh = plsc.VectorSubcoreMesh(core_axis_name="c", subcore_axis_name="s")

    @functools.partial(
        pl.kernel,
        mesh=mesh,
        out_type=jax.ShapeDtypeStruct((2 * batch, 2 * d), jnp.float32),
        scratch_types=[
            pltpu.VMEM((n_chunks, _CHUNK), jnp.int32),
            pltpu.VMEM((b_per_w, 2 * d), jnp.float32),
            pltpu.SemaphoreType.DMA,
        ],
    )
    def gather_kernel(user_hbm, item_hbm, idx_u_hbm, idx_i_hbm, out_hbm,
                      idx_v, buf, sem):
        wid = lax.axis_index("s") * nc + lax.axis_index("c")
        base = wid * b_per_w
        crow = wid * n_chunks
        for table, idx_hbm, out_base in (
            (user_hbm, idx_u_hbm, base),
            (item_hbm, idx_i_hbm, batch + base),
        ):
            pltpu.sync_copy(idx_hbm.at[pl.ds(crow, n_chunks)], idx_v)
            copies = [
                pltpu.async_copy(table.at[idx_v.at[j]],
                                 buf.at[pl.ds(j * _CHUNK, _CHUNK)], sem)
                for j in range(n_chunks)
            ]
            for c in copies:
                c.wait()
            pltpu.sync_copy(buf, out_hbm.at[pl.ds(out_base, b_per_w)])

    return gather_kernel


def _pair_fold(table):
    return jnp.concatenate([table[0::2], table[1::2]], axis=1)


@jax.jit
def kernel(embed_user, embed_item, idx_user, idx_item):
    batch = idx_user.shape[0]
    d = embed_user.shape[1]
    idx_user = idx_user.astype(jnp.int32)
    idx_item = idx_item.astype(jnp.int32)
    pair_u = (idx_user >> 1).reshape(batch // _CHUNK, _CHUNK)
    pair_i = (idx_item >> 1).reshape(batch // _CHUNK, _CHUNK)
    k = _build(embed_user.shape[0], embed_item.shape[0], batch, d)
    out_pairs = k(_pair_fold(embed_user), _pair_fold(embed_item),
                  pair_u, pair_i)
    half = jnp.concatenate([idx_user & 1, idx_item & 1])[:, None].astype(bool)
    return jnp.where(half, out_pairs[:, d:], out_pairs[:, :d])

# --- scband reference (transcript-rebuilt; emitter-appended) ---
"""Pipeline reference for scband-rel-graph-embed-1331439862166 (READ-ONLY COPY).

The authoritative reference and input builder live on the scoring server;
editing this copy changes nothing except your own understanding.
"""

import jax, jax.numpy as jnp
import numpy as np
import math

N_USER = 1000000
N_ITEM = 100000
EMBED = 64
BATCH = 16384

def _xavier_uniform(key, fan_in, fan_out, gain):
    bound = gain * math.sqrt(6.0 / (fan_in + fan_out))
    return jax.random.uniform(key, (fan_in, fan_out), minval=-bound, maxval=bound, dtype=jnp.float32)

def setup_inputs(seed: int = 0) -> dict:
    key = jax.random.key(seed)
    k1, k2, k3, k4 = jax.random.split(key, 4)
    gain = math.sqrt(2.0)  # nn.init.calculate_gain('relu')
    embed_user = _xavier_uniform(k1, N_USER, EMBED, gain)
    embed_item = _xavier_uniform(k2, N_ITEM, EMBED, gain)
    idx_user = jax.random.randint(k3, (BATCH,), 0, N_USER, dtype=jnp.int64 if jax.config.read('jax_enable_x64') else jnp.int32)
    idx_item = jax.random.randint(k4, (BATCH,), 0, N_ITEM, dtype=jnp.int64 if jax.config.read('jax_enable_x64') else jnp.int32)
    return {"embed_user": embed_user, "embed_item": embed_item, "idx_user": idx_user, "idx_item": idx_item}

def reference(embed_user, embed_item, idx_user, idx_item):
    # RelGraphEmbed holds one xavier-initialized embedding table per node type.
    # In minibatch training, forward(block) extracts the rows for the block's
    # source node IDs per ntype (the dropout is identity with p=0.0, activation=None).
    h_user = jnp.take(embed_user, idx_user, axis=0)
    h_item = jnp.take(embed_item, idx_item, axis=0)
    # Concatenate the per-ntype embeddings into a single output tensor.
    return jnp.concatenate([h_user, h_item], axis=0)

if __name__ == "__main__":
    import jax
    _d = setup_inputs()
    print(jax.jit(kernel)(*tuple(_d.values())))

</pallas_src>

<mosaic_0001>
#map = affine_map<(d0, d1) -> (0, 0)>
module attributes {stable_mosaic.version = 14 : i64} {
  func.func @gather_kernel(%arg0: i32, %arg1: i32, %arg2: memref<500000x128xf32, #tpu.memory_space<hbm>>, %arg3: memref<50000x128xf32, #tpu.memory_space<hbm>>, %arg4: memref<128x128xi32, #tpu.memory_space<hbm>>, %arg5: memref<128x128xi32, #tpu.memory_space<hbm>>, %arg6: memref<32768x128xf32, #tpu.memory_space<hbm>>, %arg7: memref<4x128xi32, #tpu.memory_space<vmem>>, %arg8: memref<512x128xf32, #tpu.memory_space<vmem>>, %arg9: memref<!tpu.dma_semaphore, #tpu.memory_space<semaphore_mem>>) attributes {dimension_semantics = [#tpu.dimension_semantics<core_parallel>, #tpu.dimension_semantics<subcore_parallel>], iteration_bounds = array<i64: 2, 16>, scalar_prefetch = 0 : i64, scratch_operands = 3 : i64, tpu.core_type = #tpu.core_type<sc_vector_subcore>, window_params = [{transform_indices = #map}, {transform_indices = #map}, {transform_indices = #map}, {transform_indices = #map}, {transform_indices = #map}]} {
    %mul3A = arith.constant 2 : i32
    %mul3A_0 = arith.muli %arg1, %mul3A : i32
    %add3A = arith.addi %mul3A_0, %arg0 : i32
    %mul3A_1 = arith.constant 512 : i32
    %mul3A_2 = arith.muli %add3A, %mul3A_1 : i32
    %mul3A_3 = arith.constant 4 : i32
    %mul3A_4 = arith.muli %add3A, %mul3A_3 : i32
    %add3A_5 = arith.constant 16384 : i32
    %add3A_6 = arith.addi %add3A_5, %mul3A_2 : i32
    "tpu.region"() ({
      %run_scoped3A = tpu.sem_alloc : memref<!tpu.dma_semaphore, #tpu.memory_space<semaphore_mem>>
      %dma_start3A_165 = arith.constant 0 : i32
      %dma_start3A_166 = tpu.memref_slice %arg4[%mul3A_4, %dma_start3A_165] : memref<128x128xi32, #tpu.memory_space<hbm>> -> memref<4x128xi32, #tpu.memory_space<hbm>>
      %dma_start3A_167 = arith.constant 0 : i32
      %dma_start3A_168 = tpu.memref_slice %arg4[%mul3A_4, %dma_start3A_167] : memref<128x128xi32, #tpu.memory_space<hbm>> -> memref<4x128xi32, #tpu.memory_space<hbm>>
      tpu.enqueue_dma source(%dma_start3A_168 : memref<4x128xi32, #tpu.memory_space<hbm>>) target(%arg7 : memref<4x128xi32, #tpu.memory_space<vmem>>) target_semaphore(%run_scoped3A : memref<!tpu.dma_semaphore, #tpu.memory_space<semaphore_mem>>)
      %dma_wait3A_169 = arith.constant 0 : i32
      %dma_wait3A_170 = tpu.memref_slice %arg4[%mul3A_4, %dma_wait3A_169] : memref<128x128xi32, #tpu.memory_space<hbm>> -> memref<4x128xi32, #tpu.memory_space<hbm>>
      %dma_wait3A_171 = arith.constant 0 : i32
      %dma_wait3A_172 = tpu.memref_slice %arg4[%mul3A_4, %dma_wait3A_171] : memref<128x128xi32, #tpu.memory_space<hbm>> -> memref<4x128xi32, #tpu.memory_space<hbm>>
      tpu.wait_dma2 semaphore(%run_scoped3A : memref<!tpu.dma_semaphore, #tpu.memory_space<semaphore_mem>>) src(%dma_wait3A_172 : memref<4x128xi32, #tpu.memory_space<hbm>>) dst(%arg7 : memref<4x128xi32, #tpu.memory_space<vmem>>)
      tpu.yield
    }) : () -> ()
    %dma_start3A = arith.constant 0 : i32
    %dma_start3A_7 = arith.constant 0 : i32
    %dma_start3A_8 = arith.constant 0 : i32
    %dma_start3A_9 = tpu.memref_slice %arg8[%dma_start3A_7, %dma_start3A_8] : memref<512x128xf32, #tpu.memory_space<vmem>> -> memref<128x128xf32, #tpu.memory_space<vmem>>
    %dma_start3A_10 = arith.constant 0 : i32
    %dma_start3A_11 = tpu.memref_slice %arg7[%dma_start3A, %dma_start3A_10] : memref<4x128xi32, #tpu.memory_space<vmem>> -> memref<1x128xi32, #tpu.memory_space<vmem>>
    %dma_start3A_12 = tpu.memref_squeeze %dma_start3A_11 : memref<1x128xi32, #tpu.memory_space<vmem>> -> memref<128xi32, #tpu.memory_space<vmem>>
    %dma_start3A_13 = arith.constant 0 : i32
    %dma_start3A_14 = arith.constant 0 : i32
    %dma_start3A_15 = tpu.memref_slice %arg2[%dma_start3A_13, %dma_start3A_14] : memref<500000x128xf32, #tpu.memory_space<hbm>> -> memref<500000x128xf32, #tpu.memory_space<hbm>>
    tpu.enqueue_indirect_dma source(%dma_start3A_15 : memref<500000x128xf32, #tpu.memory_space<hbm>>) target(%dma_start3A_9 : memref<128x128xf32, #tpu.memory_space<vmem>>) offsets(%dma_start3A_12 : memref<128xi32, #tpu.memory_space<vmem>>) semaphore(%arg9 : memref<!tpu.dma_semaphore, #tpu.memory_space<semaphore_mem>>)
    %dma_start3A_16 = arith.constant 1 : i32
    %dma_start3A_17 = arith.constant 128 : i32
    %dma_start3A_18 = arith.constant 0 : i32
    %dma_start3A_19 = tpu.memref_slice %arg8[%dma_start3A_17, %dma_start3A_18] : memref<512x128xf32, #tpu.memory_space<vmem>> -> memref<128x128xf32, #tpu.memory_space<vmem>>
    %dma_start3A_20 = arith.constant 0 : i32
    %dma_start3A_21 = tpu.memref_slice %arg7[%dma_start3A_16, %dma_start3A_20] : memref<4x128xi32, #tpu.memory_space<vmem>> -> memref<1x128xi32, #tpu.memory_space<vmem>>
    %dma_start3A_22 = tpu.memref_squeeze %dma_start3A_21 : memref<1x128xi32, #tpu.memory_space<vmem>> -> memref<128xi32, #tpu.memory_space<vmem>>
    %dma_start3A_23 = arith.constant 0 : i32
    %dma_start3A_24 = arith.constant 0 : i32
    %dma_start3A_25 = tpu.memref_slice %arg2[%dma_start3A_23, %dma_start3A_24] : memref<500000x128xf32, #tpu.memory_space<hbm>> -> memref<500000x128xf32, #tpu.memory_space<hbm>>
    tpu.enqueue_indirect_dma source(%dma_start3A_25 : memref<500000x128xf32, #tpu.memory_space<hbm>>) target(%dma_start3A_19 : memref<128x128xf32, #tpu.memory_space<vmem>>) offsets(%dma_start3A_22 : memref<128xi32, #tpu.memory_space<vmem>>) semaphore(%arg9 : memref<!tpu.dma_semaphore, #tpu.memory_space<semaphore_mem>>)
    %dma_start3A_26 = arith.constant 2 : i32
    %dma_start3A_27 = arith.constant 256 : i32
    %dma_start3A_28 = arith.constant 0 : i32
    %dma_start3A_29 = tpu.memref_slice %arg8[%dma_start3A_27, %dma_start3A_28] : memref<512x128xf32, #tpu.memory_space<vmem>> -> memref<128x128xf32, #tpu.memory_space<vmem>>
    %dma_start3A_30 = arith.constant 0 : i32
    %dma_start3A_31 = tpu.memref_slice %arg7[%dma_start3A_26, %dma_start3A_30] : memref<4x128xi32, #tpu.memory_space<vmem>> -> memref<1x128xi32, #tpu.memory_space<vmem>>
    %dma_start3A_32 = tpu.memref_squeeze %dma_start3A_31 : memref<1x128xi32, #tpu.memory_space<vmem>> -> memref<128xi32, #tpu.memory_space<vmem>>
    %dma_start3A_33 = arith.constant 0 : i32
    %dma_start3A_34 = arith.constant 0 : i32
    %dma_start3A_35 = tpu.memref_slice %arg2[%dma_start3A_33, %dma_start3A_34] : memref<500000x128xf32, #tpu.memory_space<hbm>> -> memref<500000x128xf32, #tpu.memory_space<hbm>>
    tpu.enqueue_indirect_dma source(%dma_start3A_35 : memref<500000x128xf32, #tpu.memory_space<hbm>>) target(%dma_start3A_29 : memref<128x128xf32, #tpu.memory_space<vmem>>) offsets(%dma_start3A_32 : memref<128xi32, #tpu.memory_space<vmem>>) semaphore(%arg9 : memref<!tpu.dma_semaphore, #tpu.memory_space<semaphore_mem>>)
    %dma_start3A_36 = arith.constant 3 : i32
    %dma_start3A_37 = arith.constant 384 : i32
    %dma_start3A_38 = arith.constant 0 : i32
    %dma_start3A_39 = tpu.memref_slice %arg8[%dma_start3A_37, %dma_start3A_38] : memref<512x128xf32, #tpu.memory_space<vmem>> -> memref<128x128xf32, #tpu.memory_space<vmem>>
    %dma_start3A_40 = arith.constant 0 : i32
    %dma_start3A_41 = tpu.memref_slice %arg7[%dma_start3A_36, %dma_start3A_40] : memref<4x128xi32, #tpu.memory_space<vmem>> -> memref<1x128xi32, #tpu.memory_space<vmem>>
    %dma_start3A_42 = tpu.memref_squeeze %dma_start3A_41 : memref<1x128xi32, #tpu.memory_space<vmem>> -> memref<128xi32, #tpu.memory_space<vmem>>
    %dma_start3A_43 = arith.constant 0 : i32
    %dma_start3A_44 = arith.constant 0 : i32
    %dma_start3A_45 = tpu.memref_slice %arg2[%dma_start3A_43, %dma_start3A_44] : memref<500000x128xf32, #tpu.memory_space<hbm>> -> memref<500000x128xf32, #tpu.memory_space<hbm>>
    tpu.enqueue_indirect_dma source(%dma_start3A_45 : memref<500000x128xf32, #tpu.memory_space<hbm>>) target(%dma_start3A_39 : memref<128x128xf32, #tpu.memory_space<vmem>>) offsets(%dma_start3A_42 : memref<128xi32, #tpu.memory_space<vmem>>) semaphore(%arg9 : memref<!tpu.dma_semaphore, #tpu.memory_space<semaphore_mem>>)
    %dma_wait3A = arith.constant 0 : i32
    %dma_wait3A_46 = arith.constant 0 : i32
    %dma_wait3A_47 = arith.constant 0 : i32
    %dma_wait3A_48 = tpu.memref_slice %arg8[%dma_wait3A_46, %dma_wait3A_47] : memref<512x128xf32, #tpu.memory_space<vmem>> -> memref<128x128xf32, #tpu.memory_space<vmem>>
    %dma_wait3A_49 = arith.constant 0 : i32
    %dma_wait3A_50 = tpu.memref_slice %arg7[%dma_wait3A, %dma_wait3A_49] : memref<4x128xi32, #tpu.memory_space<vmem>> -> memref<1x128xi32, #tpu.memory_space<vmem>>
    %dma_wait3A_51 = tpu.memref_squeeze %dma_wait3A_50 : memref<1x128xi32, #tpu.memory_space<vmem>> -> memref<128xi32, #tpu.memory_space<vmem>>
    %dma_wait3A_52 = arith.constant 0 : i32
    %dma_wait3A_53 = arith.constant 0 : i32
    %dma_wait3A_54 = tpu.memref_slice %arg2[%dma_wait3A_52, %dma_wait3A_53] : memref<500000x128xf32, #tpu.memory_space<hbm>> -> memref<500000x128xf32, #tpu.memory_space<hbm>>
    tpu.wait_indirect_dma semaphore(%arg9 : memref<!tpu.dma_semaphore, #tpu.memory_space<semaphore_mem>>) src(%dma_wait3A_54 : memref<500000x128xf32, #tpu.memory_space<hbm>>) dst(%dma_wait3A_48 : memref<128x128xf32, #tpu.memory_space<vmem>>)
    %dma_wait3A_55 = arith.constant 1 : i32
    %dma_wait3A_56 = arith.constant 128 : i32
    %dma_wait3A_57 = arith.constant 0 : i32
    %dma_wait3A_58 = tpu.memref_slice %arg8[%dma_wait3A_56, %dma_wait3A_57] : memref<512x128xf32, #tpu.memory_space<vmem>> -> memref<128x128xf32, #tpu.memory_space<vmem>>
    %dma_wait3A_59 = arith.constant 0 : i32
    %dma_wait3A_60 = tpu.memref_slice %arg7[%dma_wait3A_55, %dma_wait3A_59] : memref<4x128xi32, #tpu.memory_space<vmem>> -> memref<1x128xi32, #tpu.memory_space<vmem>>
    %dma_wait3A_61 = tpu.memref_squeeze %dma_wait3A_60 : memref<1x128xi32, #tpu.memory_space<vmem>> -> memref<128xi32, #tpu.memory_space<vmem>>
    %dma_wait3A_62 = arith.constant 0 : i32
    %dma_wait3A_63 = arith.constant 0 : i32
    %dma_wait3A_64 = tpu.memref_slice %arg2[%dma_wait3A_62, %dma_wait3A_63] : memref<500000x128xf32, #tpu.memory_space<hbm>> -> memref<500000x128xf32, #tpu.memory_space<hbm>>
    tpu.wait_indirect_dma semaphore(%arg9 : memref<!tpu.dma_semaphore, #tpu.memory_space<semaphore_mem>>) src(%dma_wait3A_64 : memref<500000x128xf32, #tpu.memory_space<hbm>>) dst(%dma_wait3A_58 : memref<128x128xf32, #tpu.memory_space<vmem>>)
    %dma_wait3A_65 = arith.constant 2 : i32
    %dma_wait3A_66 = arith.constant 256 : i32
    %dma_wait3A_67 = arith.constant 0 : i32
    %dma_wait3A_68 = tpu.memref_slice %arg8[%dma_wait3A_66, %dma_wait3A_67] : memref<512x128xf32, #tpu.memory_space<vmem>> -> memref<128x128xf32, #tpu.memory_space<vmem>>
    %dma_wait3A_69 = arith.constant 0 : i32
    %dma_wait3A_70 = tpu.memref_slice %arg7[%dma_wait3A_65, %dma_wait3A_69] : memref<4x128xi32, #tpu.memory_space<vmem>> -> memref<1x128xi32, #tpu.memory_space<vmem>>
    %dma_wait3A_71 = tpu.memref_squeeze %dma_wait3A_70 : memref<1x128xi32, #tpu.memory_space<vmem>> -> memref<128xi32, #tpu.memory_space<vmem>>
    %dma_wait3A_72 = arith.constant 0 : i32
    %dma_wait3A_73 = arith.constant 0 : i32
    %dma_wait3A_74 = tpu.memref_slice %arg2[%dma_wait3A_72, %dma_wait3A_73] : memref<500000x128xf32, #tpu.memory_space<hbm>> -> memref<500000x128xf32, #tpu.memory_space<hbm>>
    tpu.wait_indirect_dma semaphore(%arg9 : memref<!tpu.dma_semaphore, #tpu.memory_space<semaphore_mem>>) src(%dma_wait3A_74 : memref<500000x128xf32, #tpu.memory_space<hbm>>) dst(%dma_wait3A_68 : memref<128x128xf32, #tpu.memory_space<vmem>>)
    %dma_wait3A_75 = arith.constant 3 : i32
    %dma_wait3A_76 = arith.constant 384 : i32
    %dma_wait3A_77 = arith.constant 0 : i32
    %dma_wait3A_78 = tpu.memref_slice %arg8[%dma_wait3A_76, %dma_wait3A_77] : memref<512x128xf32, #tpu.memory_space<vmem>> -> memref<128x128xf32, #tpu.memory_space<vmem>>
    %dma_wait3A_79 = arith.constant 0 : i32
    %dma_wait3A_80 = tpu.memref_slice %arg7[%dma_wait3A_75, %dma_wait3A_79] : memref<4x128xi32, #tpu.memory_space<vmem>> -> memref<1x128xi32, #tpu.memory_space<vmem>>
    %dma_wait3A_81 = tpu.memref_squeeze %dma_wait3A_80 : memref<1x128xi32, #tpu.memory_space<vmem>> -> memref<128xi32, #tpu.memory_space<vmem>>
    %dma_wait3A_82 = arith.constant 0 : i32
    %dma_wait3A_83 = arith.constant 0 : i32
    %dma_wait3A_84 = tpu.memref_slice %arg2[%dma_wait3A_82, %dma_wait3A_83] : memref<500000x128xf32, #tpu.memory_space<hbm>> -> memref<500000x128xf32, #tpu.memory_space<hbm>>
    tpu.wait_indirect_dma semaphore(%arg9 : memref<!tpu.dma_semaphore, #tpu.memory_space<semaphore_mem>>) src(%dma_wait3A_84 : memref<500000x128xf32, #tpu.memory_space<hbm>>) dst(%dma_wait3A_78 : memref<128x128xf32, #tpu.memory_space<vmem>>)
    "tpu.region"() ({
      %run_scoped3A = tpu.sem_alloc : memref<!tpu.dma_semaphore, #tpu.memory_space<semaphore_mem>>
      %dma_start3A_165 = arith.constant 0 : i32
      %dma_start3A_166 = tpu.memref_slice %arg6[%mul3A_2, %dma_start3A_165] : memref<32768x128xf32, #tpu.memory_space<hbm>> -> memref<512x128xf32, #tpu.memory_space<hbm>>
      %dma_start3A_167 = arith.constant 0 : i32
      %dma_start3A_168 = tpu.memref_slice %arg6[%mul3A_2, %dma_start3A_167] : memref<32768x128xf32, #tpu.memory_space<hbm>> -> memref<512x128xf32, #tpu.memory_space<hbm>>
      tpu.enqueue_dma source(%arg8 : memref<512x128xf32, #tpu.memory_space<vmem>>) target(%dma_start3A_168 : memref<512x128xf32, #tpu.memory_space<hbm>>) target_semaphore(%run_scoped3A : memref<!tpu.dma_semaphore, #tpu.memory_space<semaphore_mem>>)
      %dma_wait3A_169 = arith.constant 0 : i32
      %dma_wait3A_170 = tpu.memref_slice %arg6[%mul3A_2, %dma_wait3A_169] : memref<32768x128xf32, #tpu.memory_space<hbm>> -> memref<512x128xf32, #tpu.memory_space<hbm>>
      %dma_wait3A_171 = arith.constant 0 : i32
      %dma_wait3A_172 = tpu.memref_slice %arg6[%mul3A_2, %dma_wait3A_171] : memref<32768x128xf32, #tpu.memory_space<hbm>> -> memref<512x128xf32, #tpu.memory_space<hbm>>
      tpu.wait_dma2 semaphore(%run_scoped3A : memref<!tpu.dma_semaphore, #tpu.memory_space<semaphore_mem>>) src(%arg8 : memref<512x128xf32, #tpu.memory_space<vmem>>) dst(%dma_wait3A_172 : memref<512x128xf32, #tpu.memory_space<hbm>>)
      tpu.yield
    }) : () -> ()
    "tpu.region"() ({
      %run_scoped3A = tpu.sem_alloc : memref<!tpu.dma_semaphore, #tpu.memory_space<semaphore_mem>>
      %dma_start3A_165 = arith.constant 0 : i32
      %dma_start3A_166 = tpu.memref_slice %arg5[%mul3A_4, %dma_start3A_165] : memref<128x128xi32, #tpu.memory_space<hbm>> -> memref<4x128xi32, #tpu.memory_space<hbm>>
      %dma_start3A_167 = arith.constant 0 : i32
      %dma_start3A_168 = tpu.memref_slice %arg5[%mul3A_4, %dma_start3A_167] : memref<128x128xi32, #tpu.memory_space<hbm>> -> memref<4x128xi32, #tpu.memory_space<hbm>>
      tpu.enqueue_dma source(%dma_start3A_168 : memref<4x128xi32, #tpu.memory_space<hbm>>) target(%arg7 : memref<4x128xi32, #tpu.memory_space<vmem>>) target_semaphore(%run_scoped3A : memref<!tpu.dma_semaphore, #tpu.memory_space<semaphore_mem>>)
      %dma_wait3A_169 = arith.constant 0 : i32
      %dma_wait3A_170 = tpu.memref_slice %arg5[%mul3A_4, %dma_wait3A_169] : memref<128x128xi32, #tpu.memory_space<hbm>> -> memref<4x128xi32, #tpu.memory_space<hbm>>
      %dma_wait3A_171 = arith.constant 0 : i32
      %dma_wait3A_172 = tpu.memref_slice %arg5[%mul3A_4, %dma_wait3A_171] : memref<128x128xi32, #tpu.memory_space<hbm>> -> memref<4x128xi32, #tpu.memory_space<hbm>>
      tpu.wait_dma2 semaphore(%run_scoped3A : memref<!tpu.dma_semaphore, #tpu.memory_space<semaphore_mem>>) src(%dma_wait3A_172 : memref<4x128xi32, #tpu.memory_space<hbm>>) dst(%arg7 : memref<4x128xi32, #tpu.memory_space<vmem>>)
      tpu.yield
    }) : () -> ()
    %dma_start3A_85 = arith.constant 0 : i32
    %dma_start3A_86 = arith.constant 0 : i32
    %dma_start3A_87 = arith.constant 0 : i32
    %dma_start3A_88 = tpu.memref_slice %arg8[%dma_start3A_86, %dma_start3A_87] : memref<512x128xf32, #tpu.memory_space<vmem>> -> memref<128x128xf32, #tpu.memory_space<vmem>>
    %dma_start3A_89 = arith.constant 0 : i32
    %dma_start3A_90 = tpu.memref_slice %arg7[%dma_start3A_85, %dma_start3A_89] : memref<4x128xi32, #tpu.memory_space<vmem>> -> memref<1x128xi32, #tpu.memory_space<vmem>>
    %dma_start3A_91 = tpu.memref_squeeze %dma_start3A_90 : memref<1x128xi32, #tpu.memory_space<vmem>> -> memref<128xi32, #tpu.memory_space<vmem>>
    %dma_start3A_92 = arith.constant 0 : i32
    %dma_start3A_93 = arith.constant 0 : i32
    %dma_start3A_94 = tpu.memref_slice %arg3[%dma_start3A_92, %dma_start3A_93] : memref<50000x128xf32, #tpu.memory_space<hbm>> -> memref<50000x128xf32, #tpu.memory_space<hbm>>
    tpu.enqueue_indirect_dma source(%dma_start3A_94 : memref<50000x128xf32, #tpu.memory_space<hbm>>) target(%dma_start3A_88 : memref<128x128xf32, #tpu.memory_space<vmem>>) offsets(%dma_start3A_91 : memref<128xi32, #tpu.memory_space<vmem>>) semaphore(%arg9 : memref<!tpu.dma_semaphore, #tpu.memory_space<semaphore_mem>>)
    %dma_start3A_95 = arith.constant 1 : i32
    %dma_start3A_96 = arith.constant 128 : i32
    %dma_start3A_97 = arith.constant 0 : i32
    %dma_start3A_98 = tpu.memref_slice %arg8[%dma_start3A_96, %dma_start3A_97] : memref<512x128xf32, #tpu.memory_space<vmem>> -> memref<128x128xf32, #tpu.memory_space<vmem>>
    %dma_start3A_99 = arith.constant 0 : i32
    %dma_start3A_100 = tpu.memref_slice %arg7[%dma_start3A_95, %dma_start3A_99] : memref<4x128xi32, #tpu.memory_space<vmem>> -> memref<1x128xi32, #tpu.memory_space<vmem>>
    %dma_start3A_101 = tpu.memref_squeeze %dma_start3A_100 : memref<1x128xi32, #tpu.memory_space<vmem>> -> memref<128xi32, #tpu.memory_space<vmem>>
    %dma_start3A_102 = arith.constant 0 : i32
    %dma_start3A_103 = arith.constant 0 : i32
    %dma_start3A_104 = tpu.memref_slice %arg3[%dma_start3A_102, %dma_start3A_103] : memref<50000x128xf32, #tpu.memory_space<hbm>> -> memref<50000x128xf32, #tpu.memory_space<hbm>>
    tpu.enqueue_indirect_dma source(%dma_start3A_104 : memref<50000x128xf32, #tpu.memory_space<hbm>>) target(%dma_start3A_98 : memref<128x128xf32, #tpu.memory_space<vmem>>) offsets(%dma_start3A_101 : memref<128xi32, #tpu.memory_space<vmem>>) semaphore(%arg9 : memref<!tpu.dma_semaphore, #tpu.memory_space<semaphore_mem>>)
    %dma_start3A_105 = arith.constant 2 : i32
    %dma_start3A_106 = arith.constant 256 : i32
    %dma_start3A_107 = arith.constant 0 : i32
    %dma_start3A_108 = tpu.memref_slice %arg8[%dma_start3A_106, %dma_start3A_107] : memref<512x128xf32, #tpu.memory_space<vmem>> -> memref<128x128xf32, #tpu.memory_space<vmem>>
    %dma_start3A_109 = arith.constant 0 : i32
    %dma_start3A_110 = tpu.memref_slice %arg7[%dma_start3A_105, %dma_start3A_109] : memref<4x128xi32, #tpu.memory_space<vmem>> -> memref<1x128xi32, #tpu.memory_space<vmem>>
    %dma_start3A_111 = tpu.memref_squeeze %dma_start3A_110 : memref<1x128xi32, #tpu.memory_space<vmem>> -> memref<128xi32, #tpu.memory_space<vmem>>
    %dma_start3A_112 = arith.constant 0 : i32
    %dma_start3A_113 = arith.constant 0 : i32
    %dma_start3A_114 = tpu.memref_slice %arg3[%dma_start3A_112, %dma_start3A_113] : memref<50000x128xf32, #tpu.memory_space<hbm>> -> memref<50000x128xf32, #tpu.memory_space<hbm>>
    tpu.enqueue_indirect_dma source(%dma_start3A_114 : memref<50000x128xf32, #tpu.memory_space<hbm>>) target(%dma_start3A_108 : memref<128x128xf32, #tpu.memory_space<vmem>>) offsets(%dma_start3A_111 : memref<128xi32, #tpu.memory_space<vmem>>) semaphore(%arg9 : memref<!tpu.dma_semaphore, #tpu.memory_space<semaphore_mem>>)
    %dma_start3A_115 = arith.constant 3 : i32
    %dma_start3A_116 = arith.constant 384 : i32
    %dma_start3A_117 = arith.constant 0 : i32
    %dma_start3A_118 = tpu.memref_slice %arg8[%dma_start3A_116, %dma_start3A_117] : memref<512x128xf32, #tpu.memory_space<vmem>> -> memref<128x128xf32, #tpu.memory_space<vmem>>
    %dma_start3A_119 = arith.constant 0 : i32
    %dma_start3A_120 = tpu.memref_slice %arg7[%dma_start3A_115, %dma_start3A_119] : memref<4x128xi32, #tpu.memory_space<vmem>> -> memref<1x128xi32, #tpu.memory_space<vmem>>
    %dma_start3A_121 = tpu.memref_squeeze %dma_start3A_120 : memref<1x128xi32, #tpu.memory_space<vmem>> -> memref<128xi32, #tpu.memory_space<vmem>>
    %dma_start3A_122 = arith.constant 0 : i32
    %dma_start3A_123 = arith.constant 0 : i32
    %dma_start3A_124 = tpu.memref_slice %arg3[%dma_start3A_122, %dma_start3A_123] : memref<50000x128xf32, #tpu.memory_space<hbm>> -> memref<50000x128xf32, #tpu.memory_space<hbm>>
    tpu.enqueue_indirect_dma source(%dma_start3A_124 : memref<50000x128xf32, #tpu.memory_space<hbm>>) target(%dma_start3A_118 : memref<128x128xf32, #tpu.memory_space<vmem>>) offsets(%dma_start3A_121 : memref<128xi32, #tpu.memory_space<vmem>>) semaphore(%arg9 : memref<!tpu.dma_semaphore, #tpu.memory_space<semaphore_mem>>)
    %dma_wait3A_125 = arith.constant 0 : i32
    %dma_wait3A_126 = arith.constant 0 : i32
    %dma_wait3A_127 = arith.constant 0 : i32
    %dma_wait3A_128 = tpu.memref_slice %arg8[%dma_wait3A_126, %dma_wait3A_127] : memref<512x128xf32, #tpu.memory_space<vmem>> -> memref<128x128xf32, #tpu.memory_space<vmem>>
    %dma_wait3A_129 = arith.constant 0 : i32
    %dma_wait3A_130 = tpu.memref_slice %arg7[%dma_wait3A_125, %dma_wait3A_129] : memref<4x128xi32, #tpu.memory_space<vmem>> -> memref<1x128xi32, #tpu.memory_space<vmem>>
    %dma_wait3A_131 = tpu.memref_squeeze %dma_wait3A_130 : memref<1x128xi32, #tpu.memory_space<vmem>> -> memref<128xi32, #tpu.memory_space<vmem>>
    %dma_wait3A_132 = arith.constant 0 : i32
    %dma_wait3A_133 = arith.constant 0 : i32
    %dma_wait3A_134 = tpu.memref_slice %arg3[%dma_wait3A_132, %dma_wait3A_133] : memref<50000x128xf32, #tpu.memory_space<hbm>> -> memref<50000x128xf32, #tpu.memory_space<hbm>>
    tpu.wait_indirect_dma semaphore(%arg9 : memref<!tpu.dma_semaphore, #tpu.memory_space<semaphore_mem>>) src(%dma_wait3A_134 : memref<50000x128xf32, #tpu.memory_space<hbm>>) dst(%dma_wait3A_128 : memref<128x128xf32, #tpu.memory_space<vmem>>)
    %dma_wait3A_135 = arith.constant 1 : i32
    %dma_wait3A_136 = arith.constant 128 : i32
    %dma_wait3A_137 = arith.constant 0 : i32
    %dma_wait3A_138 = tpu.memref_slice %arg8[%dma_wait3A_136, %dma_wait3A_137] : memref<512x128xf32, #tpu.memory_space<vmem>> -> memref<128x128xf32, #tpu.memory_space<vmem>>
    %dma_wait3A_139 = arith.constant 0 : i32
    %dma_wait3A_140 = tpu.memref_slice %arg7[%dma_wait3A_135, %dma_wait3A_139] : memref<4x128xi32, #tpu.memory_space<vmem>> -> memref<1x128xi32, #tpu.memory_space<vmem>>
    %dma_wait3A_141 = tpu.memref_squeeze %dma_wait3A_140 : memref<1x128xi32, #tpu.memory_space<vmem>> -> memref<128xi32, #tpu.memory_space<vmem>>
    %dma_wait3A_142 = arith.constant 0 : i32
    %dma_wait3A_143 = arith.constant 0 : i32
    %dma_wait3A_144 = tpu.memref_slice %arg3[%dma_wait3A_142, %dma_wait3A_143] : memref<50000x128xf32, #tpu.memory_space<hbm>> -> memref<50000x128xf32, #tpu.memory_space<hbm>>
    tpu.wait_indirect_dma semaphore(%arg9 : memref<!tpu.dma_semaphore, #tpu.memory_space<semaphore_mem>>) src(%dma_wait3A_144 : memref<50000x128xf32, #tpu.memory_space<hbm>>) dst(%dma_wait3A_138 : memref<128x128xf32, #tpu.memory_space<vmem>>)
    %dma_wait3A_145 = arith.constant 2 : i32
    %dma_wait3A_146 = arith.constant 256 : i32
    %dma_wait3A_147 = arith.constant 0 : i32
    %dma_wait3A_148 = tpu.memref_slice %arg8[%dma_wait3A_146, %dma_wait3A_147] : memref<512x128xf32, #tpu.memory_space<vmem>> -> memref<128x128xf32, #tpu.memory_space<vmem>>
    %dma_wait3A_149 = arith.constant 0 : i32
    %dma_wait3A_150 = tpu.memref_slice %arg7[%dma_wait3A_145, %dma_wait3A_149] : memref<4x128xi32, #tpu.memory_space<vmem>> -> memref<1x128xi32, #tpu.memory_space<vmem>>
    %dma_wait3A_151 = tpu.memref_squeeze %dma_wait3A_150 : memref<1x128xi32, #tpu.memory_space<vmem>> -> memref<128xi32, #tpu.memory_space<vmem>>
    %dma_wait3A_152 = arith.constant 0 : i32
    %dma_wait3A_153 = arith.constant 0 : i32
    %dma_wait3A_154 = tpu.memref_slice %arg3[%dma_wait3A_152, %dma_wait3A_153] : memref<50000x128xf32, #tpu.memory_space<hbm>> -> memref<50000x128xf32, #tpu.memory_space<hbm>>
    tpu.wait_indirect_dma semaphore(%arg9 : memref<!tpu.dma_semaphore, #tpu.memory_space<semaphore_mem>>) src(%dma_wait3A_154 : memref<50000x128xf32, #tpu.memory_space<hbm>>) dst(%dma_wait3A_148 : memref<128x128xf32, #tpu.memory_space<vmem>>)
    %dma_wait3A_155 = arith.constant 3 : i32
    %dma_wait3A_156 = arith.constant 384 : i32
    %dma_wait3A_157 = arith.constant 0 : i32
    %dma_wait3A_158 = tpu.memref_slice %arg8[%dma_wait3A_156, %dma_wait3A_157] : memref<512x128xf32, #tpu.memory_space<vmem>> -> memref<128x128xf32, #tpu.memory_space<vmem>>
    %dma_wait3A_159 = arith.constant 0 : i32
    %dma_wait3A_160 = tpu.memref_slice %arg7[%dma_wait3A_155, %dma_wait3A_159] : memref<4x128xi32, #tpu.memory_space<vmem>> -> memref<1x128xi32, #tpu.memory_space<vmem>>
    %dma_wait3A_161 = tpu.memref_squeeze %dma_wait3A_160 : memref<1x128xi32, #tpu.memory_space<vmem>> -> memref<128xi32, #tpu.memory_space<vmem>>
    %dma_wait3A_162 = arith.constant 0 : i32
    %dma_wait3A_163 = arith.constant 0 : i32
    %dma_wait3A_164 = tpu.memref_slice %arg3[%dma_wait3A_162, %dma_wait3A_163] : memref<50000x128xf32, #tpu.memory_space<hbm>> -> memref<50000x128xf32, #tpu.memory_space<hbm>>
    tpu.wait_indirect_dma semaphore(%arg9 : memref<!tpu.dma_semaphore, #tpu.memory_space<semaphore_mem>>) src(%dma_wait3A_164 : memref<50000x128xf32, #tpu.memory_space<hbm>>) dst(%dma_wait3A_158 : memref<128x128xf32, #tpu.memory_space<vmem>>)
    "tpu.region"() ({
      %run_scoped3A = tpu.sem_alloc : memref<!tpu.dma_semaphore, #tpu.memory_space<semaphore_mem>>
      %dma_start3A_165 = arith.constant 0 : i32
      %dma_start3A_166 = tpu.memref_slice %arg6[%add3A_6, %dma_start3A_165] : memref<32768x128xf32, #tpu.memory_space<hbm>> -> memref<512x128xf32, #tpu.memory_space<hbm>>
      %dma_start3A_167 = arith.constant 0 : i32
      %dma_start3A_168 = tpu.memref_slice %arg6[%add3A_6, %dma_start3A_167] : memref<32768x128xf32, #tpu.memory_space<hbm>> -> memref<512x128xf32, #tpu.memory_space<hbm>>
      tpu.enqueue_dma source(%arg8 : memref<512x128xf32, #tpu.memory_space<vmem>>) target(%dma_start3A_168 : memref<512x128xf32, #tpu.memory_space<hbm>>) target_semaphore(%run_scoped3A : memref<!tpu.dma_semaphore, #tpu.memory_space<semaphore_mem>>)
      %dma_wait3A_169 = arith.constant 0 : i32
      %dma_wait3A_170 = tpu.memref_slice %arg6[%add3A_6, %dma_wait3A_169] : memref<32768x128xf32, #tpu.memory_space<hbm>> -> memref<512x128xf32, #tpu.memory_space<hbm>>
      %dma_wait3A_171 = arith.constant 0 : i32
      %dma_wait3A_172 = tpu.memref_slice %arg6[%add3A_6, %dma_wait3A_171] : memref<32768x128xf32, #tpu.memory_space<hbm>> -> memref<512x128xf32, #tpu.memory_space<hbm>>
      tpu.wait_dma2 semaphore(%run_scoped3A : memref<!tpu.dma_semaphore, #tpu.memory_space<semaphore_mem>>) src(%arg8 : memref<512x128xf32, #tpu.memory_space<vmem>>) dst(%dma_wait3A_172 : memref<512x128xf32, #tpu.memory_space<hbm>>)
      tpu.yield
    }) : () -> ()
    return
  }
}

</mosaic_0001>

<sc_bundles>
// kernel: kernel.3.cloned.1.call-start
scs
__scs_entry_jumppad:
0x0: {  	(pc) =	sbr.rel $0x88, $3  }
0x1: {  	(tag) =	ssettag $0x0;
	lr =	simm.s32 $0x1  }
0x2: {  	[smem:$0x3F9D] =	sst lr;
	_ =	strace $0xD0000000  }
0x3: {  	_ = 	snop  }
0x4: {  	_ = 	snop  }
0x5: {  	_ = 	snop  }
0x6: {  	_ = 	snop  }
0x7: {  	_ = 	snop  }
__scs_overlays_trampoline_lowered:
0x8: {  	[smem:$0x3FAC] =	sst s0  }
0x9: {  	[smem:$0x3FAD] =	sst s1  }
0xa: {  	[smem:$0x3FAE] =	sst s2  }
0xb: {  	[smem:$0x3FAF] =	sst s3  }
0xc: {  	[smem:$0x3FB0] =	sst s4  }
0xd: {  	[smem:$0x3FB1] =	sst s5  }
0xe: {  	[smem:$0x3FB2] =	sst s6  }
0xf: {  	[smem:$0x3FB3] =	sst s7  }
0x10: {  	[smem:$0x3FB4] =	sst s8  }
0x11: {  	[smem:$0x3FB5] =	sst s9;
	s0 =	simm.s32 @!p0 $0x0  }
0x12: {  	s1 =	sld [smem:$0x3F9B];
	s0 =	simm.s32 @p0 $0x1  }
0x13: {  	[smem:$0x3FB6] =	sst s0;
	s0 =	simm.s32 @!p1 $0x0  }
0x14: {  	s2 =	sld [smem:$0x3F9A];
	s0 =	simm.s32 @p1 $0x1  }
0x15: {  	[smem:$0x3FB7] =	sst s0;
	s0 =	simm.s32 @!p2 $0x0  }
0x16: {  	s3 =	sld [smem:$0x3FDB];
	s0 =	simm.s32 @p2 $0x1  }
0x17: {  	s4 =	simm.s32 $0x1BF5;
	[smem:$0x3FB9] =	sst s0  }
0x18: {  	s0 =	sld [smem:$0x3F9C];
	_ =	swait.ge [sflag:s4], $0x0  }
0x19: {  	s7 =	sld [smem:$0x3F9D]  }
0x1a: {  	s8 =	sadd.s32 $0xFFFFE003, lr  }
0x1b: {  	s9 =	sadd.s32 $0xFFFFFEF7, lr;
	s5 =	simm.s32 $0xFFFFFFFF;
	p2 =	slt.u32 s8, $0xFFFFF086  }
0x1c: {  	p1 =	slt.u32 s9, $0xF7A;
	s5 =	simm.s32 @!p2 $0x0  }
0x1d: {  	s5 =	simm.s32 @p1 $0x1;
	p0 =	seq.s32 s7, s2  }
0x1e: {  	s7 =	smul.u32 @!p0 $0xF7A, s2;
	p2 =	seq.s32 @!p0 s5, $0x0  }
0x1f: {  	s9 =	smul.u32 $0xF7A, s1;
	s8 =	simm.s32 @!p0 $0x1BF5;
	p2 =	por !p2, p0  }
0x20: {  	[sflag:s8] =	ssyncset.s32 @!p0 $0xFFFFF086;
	s6 =	sadd.s32 @!p0 s3, s7;
	s7 =	simm.s32 @!p0 $0x108  }
0x21: {  	s3 =	sadd.s32 s3, s9;
	s6 =	sadd.s32 @!p0 $0x88, s6;
	s7 =	simm.s32 @p2 $0x1082  }
0x22: {  	[simem:s7], [sflag:s8] =	dma.local @!p0 [hbm:s6], $0xF7A  }
0x23: {  	s9 =	sor.u32 $0xD0000000, s2;
	s6 =	simm.s32 $0x108;
	_ =	swait.ge @!p0 [sflag:s8], $0x0  }
0x24: {  	s3 =	sadd.s32 $0x88, s3;
	s6 =	simm.s32 @!p1 $0x1082;
	[sflag:s4] =	ssyncset.s32 $0xFFFFF086  }
0x25: {  	[simem:s6], [sflag:s4] =	dma.local [hbm:s3], $0xF7A  }
0x26: {  	[smem:$0x3F9D] =	sst s1;
	(tag) =	ssettag s2;
	_ =	strace s9  }
0x27: {  	s1 =	sld [smem:$0x3FAD]  }
0x28: {  	s2 =	sld [smem:$0x3FAE]  }
0x29: {  	s4 =	sld [smem:$0x3FB0]  }
0x2a: {  	p0 =	seq.s32 s5, $0x0;
	s5 =	sld [smem:$0x3FB1]  }
0x2b: {  	s6 =	sld [smem:$0x3FB2]  }
0x2c: {  	s7 =	sld [smem:$0x3FB3]  }
0x2d: {  	s3 =	simm.s32 $0x108;
	s8 =	sld [smem:$0x3FB4]  }
0x2e: {  	s3 =	simm.s32 @!p0 $0x1082;
	s9 =	sld [smem:$0x3FB5]  }
0x2f: {  	lr =	sadd.s32 s0, s3;
	s0 =	sld [smem:$0x3FAC]  }
0x30: {  	s3 =	sld [smem:$0x3FAF]  }
0x31: {  	[smem:$0x3FB8] =	sst s10  }
0x32: {  	s10 =	sld [smem:$0x3FB6];
	_ =	sdelay $0x3  }
0x33: {  	p0 =	seq.s32 s10, $0x1;
	s10 =	sld [smem:$0x3FB8];
	_ =	sdelay $0x3  }
0x34: {  	[smem:$0x3FB8] =	sst s10  }
0x35: {  	s10 =	sld [smem:$0x3FB7];
	_ =	sdelay $0x3  }
0x36: {  	p1 =	seq.s32 s10, $0x1;
	s10 =	sld [smem:$0x3FB8];
	_ =	sdelay $0x3  }
0x37: {  	[smem:$0x3FB8] =	sst s10  }
0x38: {  	s10 =	sld [smem:$0x3FB9]  }
0x39: {  	_ = 	snop;
	(pc) =	sbr.ind lr, $3  }
0x3a: {  	_ = 	snop  }
0x3b: {  	_ = 	snop  }
0x3c: {  	p2 =	seq.s32 s10, $0x1;
	s10 =	sld [smem:$0x3FB8]  }
0x3d: {  	_ =	shalt  }
0x3e: {  	_ =	shalt  }
0x3f: {  	_ =	shalt  }
0x40: {  	_ =	shalt  }
0x41: {  	_ =	shalt  }
0x42: {  	_ =	shalt  }
0x43: {  	_ =	shalt  }
0x44: {  	_ =	shalt  }
0x45: {  	_ =	shalt  }
0x46: {  	_ =	shalt  }
0x47: {  	_ =	shalt  }
0x48: {  	_ =	shalt  }
0x49: {  	_ =	shalt  }
0x4a: {  	_ =	shalt  }
0x4b: {  	_ =	shalt  }
0x4c: {  	_ =	shalt  }
0x4d: {  	_ =	shalt  }
0x4e: {  	_ =	shalt  }
0x4f: {  	_ =	shalt  }
0x50: {  	_ =	shalt  }
0x51: {  	_ =	shalt  }
0x52: {  	_ =	shalt  }
0x53: {  	_ =	shalt  }
0x54: {  	_ =	shalt  }
0x55: {  	_ =	shalt  }
0x56: {  	_ =	shalt  }
0x57: {  	_ =	shalt  }
0x58: {  	_ =	shalt  }
0x59: {  	_ =	shalt  }
0x5a: {  	_ =	shalt  }
0x5b: {  	_ =	shalt  }
0x5c: {  	_ =	shalt  }
0x5d: {  	_ =	shalt  }
0x5e: {  	_ =	shalt  }
0x5f: {  	_ =	shalt  }
0x60: {  	_ =	shalt  }
0x61: {  	_ =	shalt  }
0x62: {  	_ =	shalt  }
0x63: {  	_ =	shalt  }
0x64: {  	_ =	shalt  }
0x65: {  	_ =	shalt  }
0x66: {  	_ =	shalt  }
0x67: {  	_ =	shalt  }
0x68: {  	_ =	shalt  }
0x69: {  	_ =	shalt  }
0x6a: {  	_ =	shalt  }
0x6b: {  	_ =	shalt  }
0x6c: {  	_ =	shalt  }
0x6d: {  	_ =	shalt  }
0x6e: {  	_ =	shalt  }
0x6f: {  	_ =	shalt  }
0x70: {  	_ =	shalt  }
0x71: {  	_ =	shalt  }
0x72: {  	_ =	shalt  }
0x73: {  	_ =	shalt  }
0x74: {  	_ =	shalt  }
0x75: {  	_ =	shalt  }
0x76: {  	_ =	shalt  }
0x77: {  	_ =	shalt  }
0x78: {  	_ =	shalt  }
0x79: {  	_ =	shalt  }
0x7a: {  	_ =	shalt  }
0x7b: {  	_ =	shalt  }
0x7c: {  	_ =	shalt  }
0x7d: {  	_ =	shalt  }
0x7e: {  	_ =	shalt  }
0x7f: {  	_ =	shalt  }
0x80: {  	_ =	shalt  }
0x81: {  	_ =	shalt  }
0x82: {  	_ =	shalt  }
0x83: {  	_ =	shalt  }
0x84: {  	_ =	shalt  }
0x85: {  	_ =	shalt  }
0x86: {  	_ =	shalt  }
0x87: {  	_ =	shalt  }
.Lfunc_end0:
.L_simem_size_0:
called_computation.2_lowered:
.L_overlay_start_0:
0x88: {  	s2 =	sld [smem:$0x3FD9]  }
0x89: {  	s3 =	sld [smem:$0x3FFE];
	_ =	sdelay $0x1  }
0x8a: {  	s1 =	srdreg.scid  }
0x8b: {  	s0 =	sand.u32 $0x1, s1  }
0x8c: {  	s16 =	sshll.u32 s0, $0xA;
	s2 =	sadd.s32 s3, s2  }
0x8d: {  	s2 =	sadd.s32 s2, s16  }
0x8e: {  	[smem:$0x3FC4] =	sst s2  }
0x8f: {  	_ = 	snop  }
0x90: {  	(tm) =	ssettm $0x1  }
0x91: {  	s17 =	sld [smem:$0x3FFB];
	_ =	sdelay $0x3  }
0x92: {  	_ =	strace s17  }
0x93: {  	s2 =	sld [smem:$0x3FFC];
	_ =	sdelay $0x3  }
0x94: {  	_ =	strace s2  }
0x95: {  	s2 =	sld [smem:$0x3FFD];
	_ =	sdelay $0x3  }
0x96: {  	_ =	strace s2  }
0x97: {  	_ =	strace $0x8FFFFFFF  }
0x98: {  	s18 =	sld [smem:$0x3FDB];
	_ =	sdelay $0x1  }
0x99: {  	s19 =	simm.s32 $_scs_section_size  }
0x9a: {  	s4 =	simm.s32 $_size__tile_overlayer_lowered;
	s5 =	simm.s32 $_tile_overlayer_lowered  }
0x9b: {  	s22 =	simm.s32 $0x1BFF;
	s21 =	sshll.u32 s5, $0x1;
	s2 =	sadd.s32 s19, s18  }
0x9c: {  	s6 =	simm.s32 $0x0;
	s20 =	sshll.u32 s4, $0x1;
	s4 =	sadd.s32 s21, s2  }
0x9d: {  	[timem:s6], [sflag:s22] =	dma.local [hbm:s4], s20  }
0x9e: {  	_ =	swait.ge [sflag:s22], s20  }
0x9f: {  	s3 =	ssub.s32 $0x0, s20;
	[sflag:s22] =	ssyncset.done $0x0  }
0xa0: {  	[sflag:s22] =	ssyncadd.s32 s3;
	_ =	sdelay $0x1  }
0xa1: {  	s23 =	simm.s32 $0x1B8B  }
0xa2: {  	_ =	swait.ge [sflag:s23], $0x1  }
0xa3: {  	[sflag:s23] =	ssyncset.done $0x0  }
0xa4: {  	s25 =	simm.s32 $0x1B8E;
	s24 =	sld [smem:$0x3FFE];
	[sflag:s23] =	ssyncadd.s32 $0xFFFFFFFF  }
0xa5: {  	s26 =	simm.s32 $execute0_lowered;
	[smem:$0x3FD2] =	sst s25  }
0xa6: {  	s4 =	sshll.u32 s26, $0x1;
	_ =	strace $0x8000004C;
	[dreg:$0x1] =	wrdreg $0xFFFFFFFF  }
0xa7: {  	s28 =	simm.s32 $_size_execute0_lowered;
	s2 =	sadd.s32 s2, s4;
	[dreg:$0x0] =	wrdreg $0x0  }
0xa8: {  	s4 =	sshll.u32 s28, $0x1;
	[dreg:$0x2] =	wrdreg s2  }
0xa9: {  	[dreg:$0x3] =	wrdreg s4  }
0xaa: {  	[dreg:$0x4] =	wrdreg $0xC0  }
0xab: {  	_ =	task [dreg:s6], $0x5FFFF  }
0xac: {  	[dreg:$0x1] =	wrdreg $0xFFFFFFFF  }
0xad: {  	[dreg:$0x0] =	wrdreg $0x60  }
0xae: {  	[dreg:$0x2] =	wrdreg s24  }
0xaf: {  	[dreg:$0x3] =	wrdreg $0x9  }
0xb0: {  	_ =	task.clear_ibuf [dreg:s6], $0x4FFFF;
	_ =	strace $0x9000004C  }
0xb1: {  	s29 =	simm.s32 $0x9;
	_ =	strace $0x8000004E  }
0xb2: {  	_ =	swait.ge [sflag:s29], $0x1  }
0xb3: {  	[sflag:s29] =	ssyncadd.s32 $0xFFFFFFFF  }
0xb4: {  	_ =	strace $0x9000004E  }
0xb5: {  	_ =	sfence  }
0xb6: {  	s30 =	sld [smem:$0x0];
	_ =	sdelay $0x2  }
0xb7: {  	s31 =	sshll.u32 s1, $0xD;
	s1 =	sshrl.u32 s1, $0x2  }
0xb8: {  	s3 =	sand.u32 $0x4000, s31;
	s1 =	sadd.s32 s1, s30  }
0xb9: {  	s0 =	sor.u32 s3, s0;
	s1 =	sshll.u32 s1, $0x11  }
0xba: {  	s0 =	sor.u32 s1, s0  }
0xbb: {  	s0 =	sadd.s32 $0x8F2B, s0  }
0xbc: {  	[sflag:s0] =	ssyncadd.remote.s32 $0x1  }
0xbd: {  	_ =	sfence.sel $0xFFFF  }
0xbe: {  	[dreg:$0x0] =	wrdreg $0xFFFFFFFF;
	(pc) =	sbr.abs _section_cstart, $3  }
0xbf: {  	[dreg:$0x1] =	wrdreg $0xFFFFFFFF  }
0xc0: {  	_ =	task.clear_ibuf [dreg:s6], $0x2FFFF;
	_ =	strace $0x9FFFFFFF  }
0xc1: {  	(tm) =	ssettm $0x7FFFFFFF  }
tec
execute0_lowered:
.L_overlay_start_1:
0x0: {  	(tag) =	ssettag $0x1  }
0x1: {  	s1 =	srdreg.scid  }
0x2: {  	s0 =	stileid.u32;
	s17 =	sand.u32 $0x1, s1  }
0x3: {  	s16 =	rddreg [dreg:$0x0];
	s3 =	sshll.u32 s0, $0x7;
	s4 =	sshll.u32 s17, $0x6  }
0x4: {  	s2 =	simm.s32 $0x0;
	s1 =	rddreg [dreg:$0x1];
	s3 =	sor.u32 s4, s3  }
0x5: {  	[smem:$0x7FF] =	sst s2;
	s15 =	sadd.s32 s3, s16  }
0x6: {  	_ =	strace $0x8000004D;
	s3 =	simm.s32 $0x2;
	s4 =	sadd.s32 $0x16E6400, s15  }
0x7: {  	[tilespmem:s2], [sflag:$0x2] =	stream.linear.gather [hbm4b:s4+s2], $0x200, $0x38;
	[tilespmem:$0x10200] =	vst v63  }
0x8: {  	_ =	swait.ge [sflag:s3], $0x200  }
0x9: {  	s6 =	simm.s32 $0x80;
	[sflag:s3] =	ssyncset.done $0x0  }
0xa: {  	s7 =	simm.s32 $0x200;
	s5 =	sadd.s32 $0x192F800, s16;
	[sflag:s3] =	ssyncadd.s32 $0xFFFFFE00  }
0xb: {  	[tilespmem:s7], [sflag:$0x1] =	stream.indirect.gather [hbm4b:s5+s6], $0x80, s2, s6, $0xb8;
	[tilespmem:$0x10200] =	vst v63  }
0xc: {  	s8 =	simm.s32 $0x4200  }
0xd: {  	[tilespmem:s8], [sflag:$0x1] =	stream.indirect.gather [hbm4b:s5+s6], $0x80, s6, s6, $0xb8;
	[tilespmem:$0x10200] =	vst v63  }
0xe: {  	s9 =	simm.s32 $0x100;
	s10 =	simm.s32 $0x8200  }
0xf: {  	[tilespmem:s10], [sflag:$0x1] =	stream.indirect.gather [hbm4b:s5+s6], $0x80, s9, s6, $0xb8;
	[tilespmem:$0x10200] =	vst v63  }
0x10: {  	s11 =	simm.s32 $0x180;
	s12 =	simm.s32 $0xC200;
	s13 =	simm.s32 $0x1  }
0x11: {  	[tilespmem:s12], [sflag:$0x1] =	stream.indirect.gather [hbm4b:s5+s6], $0x80, s11, s6, $0xb8;
	[tilespmem:$0x10200] =	vst v63  }
0x12: {  	_ =	swait.ge [sflag:s13], $0x4000  }
0x13: {  	[sflag:s13] =	ssyncset.done $0x0  }
0x14: {  	[sflag:s13] =	ssyncadd.s32 $0xFFFFC000  }
0x15: {  	_ =	swait.ge [sflag:s13], $0x4000  }
0x16: {  	[sflag:s13] =	ssyncset.done $0x0  }
0x17: {  	[sflag:s13] =	ssyncadd.s32 $0xFFFFC000  }
0x18: {  	_ =	swait.ge [sflag:s13], $0x4000  }
0x19: {  	[sflag:s13] =	ssyncset.done $0x0  }
0x1a: {  	s14 =	sshll.u32 s0, $0xE;
	s18 =	sshll.u32 s17, $0xD;
	[sflag:s13] =	ssyncadd.s32 $0xFFFFC000  }
0x1b: {  	s14 =	sor.u32 s18, s14;
	_ =	swait.ge [sflag:s13], $0x4000  }
0x1c: {  	s18 =	sadd.s32 s14, s16;
	[sflag:s13] =	ssyncset.done $0x0  }
0x1d: {  	s14 =	sadd.s32 $0x16E6C00, s18;
	[sflag:s13] =	ssyncadd.s32 $0xFFFFC000  }
0x1e: {  	[hbm4b:s14+s2] =	stream.linear.scatter [tilespmem:s7], [sflag:$0x2], $0x10000, $0x38;
	[tilespmem:$0x10200] =	vst v63  }
0x1f: {  	_ =	swait.ge [sflag:s3], $0x10000  }
0x20: {  	[sflag:s3] =	ssyncset.done $0x0  }
0x21: {  	s15 =	sadd.s32 $0x16E5C00, s15;
	[sflag:s3] =	ssyncadd.s32 $0xFFFF0000  }
0x22: {  	[tilespmem:s2], [sflag:$0x2] =	stream.linear.gather [hbm4b:s15+s2], $0x200, $0x38;
	[tilespmem:$0x10200] =	vst v63  }
0x23: {  	_ =	swait.ge [sflag:s3], $0x200  }
0x24: {  	[sflag:s3] =	ssyncset.done $0x0  }
0x25: {  	s16 =	sadd.s32 $0x186C200, s16;
	[sflag:s3] =	ssyncadd.s32 $0xFFFFFE00  }
0x26: {  	[tilespmem:s7], [sflag:$0x1] =	stream.indirect.gather [hbm4b:s16+s6], $0x80, s2, s6, $0xb8;
	[tilespmem:$0x10200] =	vst v63  }
0x27: {  	_ = 	snop  }
0x28: {  	[tilespmem:s8], [sflag:$0x1] =	stream.indirect.gather [hbm4b:s16+s6], $0x80, s6, s6, $0xb8;
	[tilespmem:$0x10200] =	vst v63  }
0x29: {  	_ = 	snop  }
0x2a: {  	[tilespmem:s10], [sflag:$0x1] =	stream.indirect.gather [hbm4b:s16+s6], $0x80, s9, s6, $0xb8;
	[tilespmem:$0x10200] =	vst v63  }
0x2b: {  	_ = 	snop  }
0x2c: {  	[tilespmem:s12], [sflag:$0x1] =	stream.indirect.gather [hbm4b:s16+s6], $0x80, s11, s6, $0xb8;
	[tilespmem:$0x10200] =	vst v63  }
0x2d: {  	_ =	swait.ge [sflag:s13], $0x4000  }
0x2e: {  	[sflag:s13] =	ssyncset.done $0x0  }
0x2f: {  	[sflag:s13] =	ssyncadd.s32 $0xFFFFC000  }
0x30: {  	_ =	swait.ge [sflag:s13], $0x4000  }
0x31: {  	[sflag:s13] =	ssyncset.done $0x0  }
0x32: {  	s17 =	ssub.s32 $0x2, s17;
	[sflag:s13] =	ssyncadd.s32 $0xFFFFC000  }
0x33: {  	s19 =	sshrl.u32 s17, $0x1;
	_ =	swait.ge [sflag:s13], $0x4000  }
0x34: {  	s19 =	ssub.s32 s17, s19;
	[sflag:s13] =	ssyncset.done $0x0  }
0x35: {  	s31 =	smax.u32 s19, $0x1;
	[sflag:s13] =	ssyncadd.s32 $0xFFFFC000  }
0x36: {  	p0 =	sne.s32 s31, $0x1;
	_ =	swait.ge [sflag:s13], $0x4000  }
.Ltmp0:
0x37: {  	[sflag:s13] =	ssyncset.done $0x0;
	(pc) =	sbr.rel @!p0 .LBB2_2-.Ltmp0, $4  }
0x38: {  	s17 =	sadd.s32 $0x1726C00, s18;
	[sflag:s13] =	ssyncadd.s32 $0xFFFFC000  }
0x39: {  	[hbm4b:s17+s2] =	stream.linear.scatter [tilespmem:s7], [sflag:$0x2], $0x10000, $0x38;
	[tilespmem:$0x10200] =	vst v63  }
0x3a: {  	_ =	swait.ge [sflag:s3], $0x10000  }
0x3b: {  	s18 =	sadd.s32 $0xFFFFFFFF, s31;
	[sflag:s3] =	ssyncset.done $0x0  }
.LBB2_1:
0x3c: {  	p0 =	sne.s32 s18, $0x1;
	s18 =	sadd.s32 $0xFFFFFFFF, s18;
	[sflag:s3] =	ssyncadd.s32 $0xFFFF0000  }
0x3d: {  	[tilespmem:s2], [sflag:$0x2] =	stream.linear.gather [hbm4b:s4+s2], $0x200, $0x38;
	[tilespmem:$0x10200] =	vst v63  }
0x3e: {  	_ =	swait.ge [sflag:s3], $0x200  }
0x3f: {  	[sflag:s3] =	ssyncset.done $0x0  }
0x40: {  	[sflag:s3] =	ssyncadd.s32 $0xFFFFFE00  }
0x41: {  	[tilespmem:s7], [sflag:$0x1] =	stream.indirect.gather [hbm4b:s5+s6], $0x80, s2, s6, $0xb8;
	[tilespmem:$0x10200] =	vst v63  }
0x42: {  	_ = 	snop  }
0x43: {  	[tilespmem:s8], [sflag:$0x1] =	stream.indirect.gather [hbm4b:s5+s6], $0x80, s6, s6, $0xb8;
	[tilespmem:$0x10200] =	vst v63  }
0x44: {  	_ = 	snop  }
0x45: {  	[tilespmem:s10], [sflag:$0x1] =	stream.indirect.gather [hbm4b:s5+s6], $0x80, s9, s6, $0xb8;
	[tilespmem:$0x10200] =	vst v63  }
0x46: {  	_ = 	snop  }
0x47: {  	[tilespmem:s12], [sflag:$0x1] =	stream.indirect.gather [hbm4b:s5+s6], $0x80, s11, s6, $0xb8;
	[tilespmem:$0x10200] =	vst v63  }
0x48: {  	_ =	swait.ge [sflag:s13], $0x4000  }
0x49: {  	[sflag:s13] =	ssyncset.done $0x0  }
0x4a: {  	[sflag:s13] =	ssyncadd.s32 $0xFFFFC000  }
0x4b: {  	_ =	swait.ge [sflag:s13], $0x4000  }
0x4c: {  	[sflag:s13] =	ssyncset.done $0x0  }
0x4d: {  	[sflag:s13] =	ssyncadd.s32 $0xFFFFC000  }
0x4e: {  	_ =	swait.ge [sflag:s13], $0x4000  }
0x4f: {  	[sflag:s13] =	ssyncset.done $0x0  }
0x50: {  	[sflag:s13] =	ssyncadd.s32 $0xFFFFC000  }
0x51: {  	_ =	swait.ge [sflag:s13], $0x4000  }
0x52: {  	[sflag:s13] =	ssyncset.done $0x0  }
0x53: {  	[sflag:s13] =	ssyncadd.s32 $0xFFFFC000  }
0x54: {  	[hbm4b:s14+s2] =	stream.linear.scatter [tilespmem:s7], [sflag:$0x2], $0x10000, $0x38;
	[tilespmem:$0x10200] =	vst v63  }
0x55: {  	_ =	swait.ge [sflag:s3], $0x10000  }
0x56: {  	[sflag:s3] =	ssyncset.done $0x0  }
0x57: {  	[sflag:s3] =	ssyncadd.s32 $0xFFFF0000  }
0x58: {  	[tilespmem:s2], [sflag:$0x2] =	stream.linear.gather [hbm4b:s15+s2], $0x200, $0x38;
	[tilespmem:$0x10200] =	vst v63  }
0x59: {  	_ =	swait.ge [sflag:s3], $0x200  }
0x5a: {  	[sflag:s3] =	ssyncset.done $0x0  }
0x5b: {  	[sflag:s3] =	ssyncadd.s32 $0xFFFFFE00  }
0x5c: {  	[tilespmem:s7], [sflag:$0x1] =	stream.indirect.gather [hbm4b:s16+s6], $0x80, s2, s6, $0xb8;
	[tilespmem:$0x10200] =	vst v63  }
0x5d: {  	_ = 	snop  }
0x5e: {  	[tilespmem:s8], [sflag:$0x1] =	stream.indirect.gather [hbm4b:s16+s6], $0x80, s6, s6, $0xb8;
	[tilespmem:$0x10200] =	vst v63  }
0x5f: {  	_ = 	snop  }
0x60: {  	[tilespmem:s10], [sflag:$0x1] =	stream.indirect.gather [hbm4b:s16+s6], $0x80, s9, s6, $0xb8;
	[tilespmem:$0x10200] =	vst v63  }
0x61: {  	_ = 	snop  }
0x62: {  	[tilespmem:s12], [sflag:$0x1] =	stream.indirect.gather [hbm4b:s16+s6], $0x80, s11, s6, $0xb8;
	[tilespmem:$0x10200] =	vst v63  }
0x63: {  	_ =	swait.ge [sflag:s13], $0x4000  }
0x64: {  	[sflag:s13] =	ssyncset.done $0x0  }
0x65: {  	[sflag:s13] =	ssyncadd.s32 $0xFFFFC000  }
0x66: {  	_ =	swait.ge [sflag:s13], $0x4000  }
0x67: {  	[sflag:s13] =	ssyncset.done $0x0  }
0x68: {  	[sflag:s13] =	ssyncadd.s32 $0xFFFFC000  }
0x69: {  	_ =	swait.ge [sflag:s13], $0x4000  }
0x6a: {  	[sflag:s13] =	ssyncset.done $0x0  }
0x6b: {  	[sflag:s13] =	ssyncadd.s32 $0xFFFFC000  }
0x6c: {  	_ =	swait.ge [sflag:s13], $0x4000  }
.Ltmp1:
0x6d: {  	[sflag:s13] =	ssyncset.done $0x0;
	(pc) =	sbr.rel @p0 .LBB2_1-.Ltmp1, $4  }
0x6e: {  	[sflag:s13] =	ssyncadd.s32 $0xFFFFC000  }
0x6f: {  	[hbm4b:s17+s2] =	stream.linear.scatter [tilespmem:s7], [sflag:$0x2], $0x10000, $0x38;
	[tilespmem:$0x10200] =	vst v63  }
0x70: {  	_ =	swait.ge [sflag:s3], $0x10000  }
0x71: {  	[sflag:s3] =	ssyncset.done $0x0  }
.LBB2_2:
0x72: {  	[sflag:s3] =	ssyncadd.s32 $0xFFFF0000  }
0x73: {  	_ =	sfence.sel $0x180000  }
0x74: {  	[bflag:$0x0] =	sbarrier.arrive $0xFFFF  }
0x75: {  	p0 =	sne.s32 s0, $0x0;
	_ =	strace $0x9000004D  }
0x76: {  	s0 =	sadd.s32 @!p0 $0x100000, s1;
	[bflag:$0x2] =	sbarrier.arrive $0xFFFF  }
0x77: {  	[sflag:s0] =	ssyncadd.tile.s32 @!p0 $0x1;
	_ =	shalt  }
.Lfunc_end2:
_tile_overlayer_lowered:
.L_overlay_start_2:
0x78: {  	(tag) =	ssettag $0x2  }
0x79: {  	s0 =	rddreg [dreg:$0x0];
	s2 =	stileid.u32  }
0x7a: {  	s1 =	rddreg [dreg:$0x1];
	p0 =	sne.s32 s2, $0x0  }
0x7b: {  	s3 =	rddreg [dreg:$0x2];
	[bflag:$0x3] =	sbarrier.arrive $0xFFFF;
	s2 =	simm.s32 @!p0 $0x1C02  }
0x7c: {  	[timem:s3], [sflag:s2] =	dma.local @!p0 [hbm:s0], s1  }
0x7d: {  	s0 =	simm.s32 @!p0 $0x2  }
0x7e: {  	_ =	swait.ge @!p0 [sflag:s0], s1  }
0x7f: {  	s1 =	ssub.s32 @!p0 $0x0, s1;
	[sflag:s0] =	ssyncset.done @!p0 $0x0  }
0x80: {  	[sflag:s0] =	ssyncadd.s32 @!p0 s1  }
0x81: {  	[bflag:$0x3] =	sbarrier.arrive $0xFFFF  }
0x82: {  	_ =	shalt  }

// kernel: sparse-core-data-format-call.1.cloned.1.call-start
scs
called_computation.1_lowered:
.L_overlay_start_0:
0x0: {  	s1 =	sld [smem:$0x3FD9]  }
0x1: {  	s2 =	sld [smem:$0x3FFE];
	_ =	sdelay $0x1  }
0x2: {  	s3 =	srdreg.scid  }
0x3: {  	s0 =	sand.u32 $0x1, s3  }
0x4: {  	s17 =	sshll.u32 s0, $0xA;
	s1 =	sadd.s32 s2, s1  }
0x5: {  	s1 =	sadd.s32 s1, s17  }
0x6: {  	[smem:$0x3FC4] =	sst s1  }
0x7: {  	_ = 	snop  }
0x8: {  	(tm) =	ssettm $0x1  }
0x9: {  	s18 =	sld [smem:$0x3FFB];
	_ =	sdelay $0x3  }
0xa: {  	_ =	strace s18  }
0xb: {  	s1 =	sld [smem:$0x3FFC];
	_ =	sdelay $0x3  }
0xc: {  	_ =	strace s1  }
0xd: {  	s1 =	sld [smem:$0x3FFD];
	_ =	sdelay $0x3  }
0xe: {  	_ =	strace s1  }
0xf: {  	_ =	strace $0x8FFFFFFF  }
0x10: {  	s19 =	sld [smem:$0x3FDB];
	_ =	sdelay $0x1  }
0x11: {  	s20 =	simm.s32 $_scs_section_size  }
0x12: {  	s4 =	simm.s32 $_size__tile_overlayer_lowered;
	s5 =	simm.s32 $_tile_overlayer_lowered  }
0x13: {  	s23 =	simm.s32 $0x1BFF;
	s22 =	sshll.u32 s5, $0x1;
	s1 =	sadd.s32 s20, s19  }
0x14: {  	s6 =	simm.s32 $0x0;
	s21 =	sshll.u32 s4, $0x1;
	s4 =	sadd.s32 s22, s1  }
0x15: {  	[timem:s6], [sflag:s23] =	dma.local [hbm:s4], s21  }
0x16: {  	_ =	swait.ge [sflag:s23], s21  }
0x17: {  	s2 =	ssub.s32 $0x0, s21;
	[sflag:s23] =	ssyncset.done $0x0  }
0x18: {  	[sflag:s23] =	ssyncadd.s32 s2;
	_ =	sdelay $0x1  }
0x19: {  	s24 =	simm.s32 $0x1B8B  }
0x1a: {  	_ =	swait.ge [sflag:s24], $0x1  }
0x1b: {  	[sflag:s24] =	ssyncset.done $0x0  }
0x1c: {  	s26 =	simm.s32 $0x1B8E;
	s25 =	sld [smem:$0x3FFE];
	[sflag:s24] =	ssyncadd.s32 $0xFFFFFFFF  }
0x1d: {  	s27 =	simm.s32 $execute0_lowered;
	[smem:$0x3FD2] =	sst s26  }
0x1e: {  	s4 =	sshll.u32 s27, $0x1;
	_ =	strace $0x80000046;
	[dreg:$0x1] =	wrdreg $0xFFFFFFFF  }
0x1f: {  	s28 =	simm.s32 $_size_execute0_lowered;
	s1 =	sadd.s32 s1, s4;
	[dreg:$0x0] =	wrdreg $0x0  }
0x20: {  	s4 =	sshll.u32 s28, $0x1;
	[dreg:$0x2] =	wrdreg s1  }
0x21: {  	[dreg:$0x3] =	wrdreg s4  }
0x22: {  	[dreg:$0x4] =	wrdreg $0xC0  }
0x23: {  	_ =	task [dreg:s6], $0x5FFFF  }
0x24: {  	[dreg:$0x1] =	wrdreg $0xFFFFFFFF  }
0x25: {  	[dreg:$0x0] =	wrdreg $0x60  }
0x26: {  	[dreg:$0x2] =	wrdreg s25  }
0x27: {  	[dreg:$0x3] =	wrdreg $0xA  }
0x28: {  	_ =	task.clear_ibuf [dreg:s6], $0x4FFFF;
	_ =	strace $0x90000046  }
0x29: {  	s29 =	simm.s32 $0xA;
	_ =	strace $0x80000048  }
0x2a: {  	_ =	swait.ge [sflag:s29], $0x1  }
0x2b: {  	[sflag:s29] =	ssyncadd.s32 $0xFFFFFFFF  }
0x2c: {  	_ =	strace $0x90000048  }
0x2d: {  	_ =	sfence  }
0x2e: {  	s30 =	sld [smem:$0x0];
	_ =	sdelay $0x2  }
0x2f: {  	s31 =	sshll.u32 s3, $0xD;
	s3 =	sshrl.u32 s3, $0x2  }
0x30: {  	s2 =	sand.u32 $0x4000, s31;
	s1 =	sadd.s32 s3, s30  }
0x31: {  	s0 =	sor.u32 s2, s0;
	s1 =	sshll.u32 s1, $0x11  }
0x32: {  	s0 =	sor.u32 s1, s0  }
0x33: {  	s0 =	sadd.s32 $0x8F2B, s0  }
0x34: {  	[sflag:s0] =	ssyncadd.remote.s32 $0x1  }
0x35: {  	_ =	sfence.sel $0xFFFF  }
0x36: {  	[dreg:$0x0] =	wrdreg $0xFFFFFFFF;
	(pc) =	sbr.abs _section_cstart, $3  }
0x37: {  	[dreg:$0x1] =	wrdreg $0xFFFFFFFF  }
0x38: {  	_ =	task.clear_ibuf [dreg:s6], $0x2FFFF;
	_ =	strace $0x9FFFFFFF  }
0x39: {  	(tm) =	ssettm $0x7FFFFFFF  }
tec
execute0_lowered:
.L_overlay_start_1:
0x0: {  	(tag) =	ssettag $0x1  }
0x1: {  	s0 =	srdreg.scid  }
0x2: {  	s5 =	rddreg [dreg:$0x0];
	s1 =	stileid.u32;
	s4 =	simm.s32 $0x1  }
0x3: {  	s6 =	simm.s32 $0x2;
	s15 =	simm.s32 $0x0;
	p0 =	por $0x0, $0x0  }
0x4: {  	s8 =	simm.s32 $0x80;
	s14 =	simm.s32 $0x0;
	s2 =	sshll.u32 s0, $0x4  }
0x5: {  	s9 =	simm.s32 $0x0;
	s10 =	simm.s32 $0x0;
	s2 =	sand.u32 $0x10, s2  }
.Ltmp0:
0x6: {  	s12 =	simm.s32 $0x0;
	s3 =	sor.u32 s1, s2;
	(pc) =	sbr.rel .LBB1_1-.Ltmp0, $4  }
0x7: {  	s0 =	rddreg [dreg:$0x1];
	_ =	strace $0x80000047;
	s3 =	sshll.u32 s3, $0x7  }
0x8: {  	s13 =	simm.s32 $0x0;
	[sflag:s4] =	ssyncpa.u1 $0x0;
	s7 =	ssub.s32 $0x7A100, s3  }
0x9: {  	s2 =	sadd.s32 $0x1800, s5;
	[sflag:s6] =	ssyncpa.u1 $0x0;
	s6 =	sshrl.u32 s7, $0xC  }
0xa: {  	s5 =	sadd.s32 $0x3D2400, s5;
	s11 =	smov.u32 s3;
	s7 =	sadd.s32 $0x2, s6  }
.LBB1_5:
0xb: {  	p1 =	slt.u32 s13, $0x2  }
0xc: {  	s17 =	smov.u32 s15;
	p2 =	sgt.s32 @!p1 s15, $0x7A0A0;
	s16 =	sshra.s32 @!p1 s15, $0x1F  }
0xd: {  	p3 =	sgt.s32 @!p1 s14, $0x40;
	s18 =	sshra.s32 @!p1 s14, $0x1F;
	p2 =	por !p2, p1  }
0xe: {  	s15 =	sand.u32 @!p1 s16, s15;
	p3 =	por !p3, p1;
	s16 =	smov.u32 s14  }
0xf: {  	s14 =	sand.u32 @!p1 s18, s14;
	s17 =	simm.s32 @p2 $0x7A0A0;
	s16 =	simm.s32 @p3 $0x40  }
0x10: {  	s15 =	ssub.s32 @!p1 s17, s15;
	s14 =	ssub.s32 @!p1 s16, s14  }
0x11: {  	s18 =	smov.u32 s12;
	s16 =	sadd.s32 @!p1 $0xFFF85F60, s15;
	s17 =	sadd.s32 @!p1 $0xFFFFFFC0, s14  }
0x12: {  	s15 =	ssub.s32 @!p1 $0x7A120, s15;
	p2 =	sgt.s32 @!p1 s16, $0x7F;
	p3 =	sgt.s32 @!p1 s17, $0x3F  }
0x13: {  	s14 =	ssub.s32 @!p1 $0x80, s14;
	p2 =	por !p2, p1;
	p3 =	por !p3, p1  }
0x14: {  	s16 =	sadd.s32 $0x1000, s11;
	s15 =	simm.s32 @!p2 $0x0;
	s14 =	simm.s32 @!p3 $0x0  }
0x15: {  	p2 =	sgt.s32 s16, $0x7A11F;
	s14 =	smul.u32 @!p1 s14, s15;
	s15 =	sadd.s32 $0x40, s12  }
0x16: {  	s18 =	smov.u32 @p2 s15  }
0x17: {  	s16 =	smov.u32 @p2 s3;
	p2 =	sgt.s32 s18, $0x3F  }
0x18: {  	s18 =	simm.s32 @p2 $0x0;
	p2 =	sne.s32 s13, s7  }
.Ltmp1:
0x19: {  	p0 =	por !p0, !p0;
	s17 =	simm.s32 @!p1 $0x2;
	(pc) =	sbr.rel @!p2 .LBB1_6-.Ltmp1, $4  }
0x1a: {  	s15 =	smov.u32 s9;
	s9 =	smov.u32 s11;
	s14 =	sand.u32 @!p1 $0x3FFFFFFF, s14  }
0x1b: {  	s11 =	smov.u32 s16;
	_ =	swait.ge @!p1 [sflag:s17], s14;
	s19 =	ssub.s32 @!p1 $0x0, s14  }
0x1c: {  	s14 =	smov.u32 s10;
	s13 =	sadd.s32 $0x1, s13;
	[sflag:s17] =	ssyncset.done @!p1 $0x0  }
0x1d: {  	s10 =	smov.u32 s12;
	s12 =	smov.u32 s18;
	[sflag:s17] =	ssyncadd.s32 @!p1 s19  }
.LBB1_1:
0x1e: {  	p1 =	sgt.u32 s13, s6  }
0x1f: {  	s16 =	sshrl.u32 @!p1 s12, $0x3  }
0x20: {  	s17 =	sshll.u32 @!p1 s11, $0x3;
	s16 =	smul.u32 @!p1 $0x3D0C00, s16  }
0x21: {  	s18 =	sshll.u32 @!p1 s12, $0x7;
	s17 =	sand.u32 @!p1 $0xFFFFFC00, s17  }
0x22: {  	s16 =	sadd.s32 @!p1 s16, s17;
	s17 =	sand.u32 @!p1 $0x380, s18  }
0x23: {  	s16 =	sor.u32 @!p1 s17, s16  }
0x24: {  	s17 =	sshrl.u32 @!p1 s16, $0x7  }
0x25: {  	s17 =	smulhi.u32 @!p1 $0x10C6249, s17;
	_ =	sdelay $0x1  }
0x26: {  	s17 =	sshrl.u32 @!p1 s17, $0x4  }
0x27: {  	s18 =	sand.u32 @!p1 $0x7F, s11;
	s19 =	smul.u32 @!p1 $0x7A180, s17  }
0x28: {  	s16 =	sor.u32 @!p1 s18, s16;
	s18 =	sxor.u32 @!p1 $0xFFFFFFFF, s13  }
0x29: {  	s18 =	sshll.u32 @!p1 s18, $0xD;
	s17 =	sand.u32 @!p1 $0x3F, s17;
	s16 =	ssub.s32 @!p1 s16, s19  }
0x2a: {  	s17 =	smul.u32 @!p1 $0xF430, s17;
	s19 =	sshrl.u32 @!p1 s16, $0x3;
	s16 =	sand.u32 @!p1 $0x7, s16  }
0x2b: {  	s18 =	sand.u32 @!p1 $0x2000, s18;
	s19 =	sadd.s32 @!p1 s2, s19;
	s16 =	sshll.u32 @!p1 s16, $0x12  }
0x2c: {  	s17 =	sadd.s32 @!p1 s17, s19;
	s16 =	sor.u32 @!p1 $0x400, s16;
	s19 =	simm.s32 @!p1 $0x3D0C00  }
0x2d: {  	[tilespmem:s18], [sflag:$0x1] =	stream.strided.gather @!p1 [hbm4b:s17+s16], $0x2000, s19, s16, $0x38;
	[tilespmem:$0x8100] =	vst v63  }
0x2e: {  	p1 =	seq.s32 s13, $0x0  }
0x2f: {  	p2 =	sge.u32 @!p1 s13, s7  }
0x30: {  	p1 =	por p1, p2  }
.Ltmp2:
0x31: {  	_ = 	snop;
	(pc) =	sbr.rel @p1 .LBB1_5-.Ltmp2, $1  }
0x32: {  	_ =	sdelay $0x3  }
0x33: {  	s16 =	simm.s32 $0x1  }
0x34: {  	_ =	swait.ge [sflag:s4], $0x2000;
	s16 =	simm.s32 @!p0 $0x0  }
0x35: {  	[sflag:s4] =	ssyncset.done $0x0;
	s17 =	sshll.u32 s16, $0xD  }
0x36: {  	[sflag:s4] =	ssyncadd.s32 $0xFFFFE000;
	s17 =	sor.u32 $0x40, s17  }
0x37: {  	s16 =	smul.u32 $0x8200, s16;
	v0 =	vld [tilespmem:s17+$0x30]  }
0x38: {  	v1 =	vld [tilespmem:s17+$0xFFFFFFD0]  }
0x39: {  	s16 =	sshrl.u32 s16, $0x2;
	v5 =	vld [tilespmem:s17+$0xFFFFFFE0]  }
0x3a: {  	v6 =	vld [tilespmem:s17+$0xFFFFFFF0];
	s19 =	sor.u32 $0x4000, s16  }
0x3b: {  	s31 =	sand.u32 $0x1, s13;
	v4 =	vld [tilespmem:s17+$0x0];
	s18 =	sadd.s32 $0x0, s19  }
0x3c: {  	v3 =	vld [tilespmem:s17+$0x10];
	s16 =	smul.u32 $0x8200, s31;
	[tilespmem:s18+$0x1C70 ss:$0x41] =	vst.msk $0xffff, v0  }
0x3d: {  	v2 =	vld [tilespmem:s17+$0x20];
	[tilespmem:s18+$0x410 ss:$0x41] =	vst.msk $0xffff, v1  }
0x3e: {  	s16 =	sshrl.u32 s16, $0x2;
	v1 =	vld [tilespmem:s17+$0xFFFFFFC0];
	[tilespmem:s18+$0x820 ss:$0x41] =	vst.msk $0xffff, v5;
	s17 =	sadd.s32 $0x80, s17  }
0x3f: {  	s20 =	simm.s32 $0x4;
	s21 =	simm.s32 $0x8;
	s16 =	sor.u32 $0x4000, s16;
	[tilespmem:s18+$0xC30 ss:$0x41] =	vst.msk $0xffff, v6;
	v0 =	vld [tilespmem:s17+$0x30]  }
.LBB1_3:
0x40: {  	p1 =	sne.s32 s21, $0xFC;
	v5 =	vld [tilespmem:s17+$0xFFFFFFD0];
	[tilespmem:s18+$0x1040 ss:$0x41] =	vst.msk $0xffff, v4  }
0x41: {  	v6 =	vld [tilespmem:s17+$0xFFFFFFE0];
	[tilespmem:s18+$0x1450 ss:$0x41] =	vst.msk $0xffff, v3  }
0x42: {  	s22 =	sshra.s32 s20, $0x2;
	s20 =	smov.u32 s21;
	v7 =	vld [tilespmem:s17+$0xFFFFFFF0];
	[tilespmem:s18+$0x1860 ss:$0x41] =	vst.msk $0xffff, v2  }
.Ltmp3:
0x43: {  	v4 =	vld [tilespmem:s17+$0x0];
	[tilespmem:s18+$0x0 ss:$0x41] =	vst.msk $0xffff, v1;
	s18 =	sadd.s32 s22, s19;
	(pc) =	sbr.rel @p1 .LBB1_3-.Ltmp3, $4  }
0x44: {  	v3 =	vld [tilespmem:s17+$0x10];
	[tilespmem:s18+$0x1C70 ss:$0x41] =	vst.msk $0xffff, v0  }
0x45: {  	[tilespmem:s18+$0x410 ss:$0x41] =	vst.msk $0xffff, v5;
	v2 =	vld [tilespmem:s17+$0x20]  }
0x46: {  	v1 =	vld [tilespmem:s17+$0xFFFFFFC0];
	[tilespmem:s18+$0x820 ss:$0x41] =	vst.msk $0xffff, v6;
	s17 =	sadd.s32 $0x80, s17  }
0x47: {  	s21 =	sadd.s32 $0x4, s21;
	v0 =	vld [tilespmem:s17+$0x30];
	[tilespmem:s18+$0xC30 ss:$0x41] =	vst.msk $0xffff, v7  }
0x48: {  	s21 =	sshll.u32 s9, $0x7;
	s22 =	sshll.u32 s10, $0x3;
	s20 =	sshra.s32 s20, $0x2  }
0x49: {  	p1 =	sgt.s32 s9, $0x7A0A0;
	s30 =	sshra.s32 s9, $0x1F;
	s25 =	sshra.s32 s10, $0x1F  }
0x4a: {  	v5 =	vld [tilespmem:s17+$0xFFFFFFD0];
	s28 =	sshrl.u32 s10, $0x3;
	s23 =	sand.u32 $0xFFFFFC00, s21;
	s22 =	sand.u32 $0xFFFFFC00, s22  }
0x4b: {  	[tilespmem:s18+$0x1040 ss:$0x41] =	vst.msk $0xffff, v4;
	v58 =	vld [tilespmem:s17+$0xFFFFFFE0];
	s21 =	sand.u32 $0x380, s21;
	s19 =	sadd.s32 s20, s19;
	s22 =	sadd.s32 s22, s23  }
0x4c: {  	v59 =	vld [tilespmem:s17+$0xFFFFFFF0];
	[tilespmem:s18+$0x1450 ss:$0x41] =	vst.msk $0xffff, v3;
	s29 =	sor.u32 s21, s22;
	s21 =	smov.u32 s9;
	s22 =	sand.u32 s30, s9  }
0x4d: {  	v60 =	vld [tilespmem:s17+$0x0];
	[tilespmem:s18+$0x1860 ss:$0x41] =	vst.msk $0xffff, v2;
	s30 =	sand.u32 $0x7, s10;
	s20 =	sshrl.u32 s29, $0x7;
	s21 =	simm.s32 @!p1 $0x7A0A0  }
0x4e: {  	v61 =	vld [tilespmem:s17+$0x10];
	[tilespmem:s18+$0x0 ss:$0x41] =	vst.msk $0xffff, v1;
	p1 =	sgt.s32 s10, $0x40;
	s24 =	ssub.s32 s21, s22;
	s21 =	smov.u32 s10  }
0x4f: {  	v62 =	vld [tilespmem:s17+$0x20];
	[tilespmem:s19+$0x1C70 ss:$0x41] =	vst.msk $0xffff, v0;
	s31 =	smulhi.u32 $0x218DEF5, s20;
	s22 =	sand.u32 s25, s10;
	s21 =	simm.s32 @!p1 $0x40  }
0x50: {  	v63 =	vld [tilespmem:s17+$0xFFFFFFC0];
	[tilespmem:s19+$0x410 ss:$0x41] =	vst.msk $0xffff, v5;
	s26 =	sadd.s32 $0xFFF85F60, s24;
	s17 =	ssub.s32 $0x7A120, s24;
	s21 =	ssub.s32 s21, s22  }
0x51: {  	[tilespmem:s19+$0x820 ss:$0x41] =	vst.msk $0xffff, v58;
	s23 =	sshrl.u32 s31, $0xC;
	p1 =	sgt.s32 s26, $0x7F;
	s27 =	sadd.s32 $0xFFFFFFC0, s21  }
0x52: {  	[tilespmem:s19+$0xC30 ss:$0x41] =	vst.msk $0xffff, v59;
	s23 =	smul.u32 $0x7A120, s23;
	s18 =	ssub.s32 $0x80, s21;
	p2 =	sgt.s32 s27, $0x3F  }
.Ltmp4:
0x53: {  	[tilespmem:s19+$0x1040 ss:$0x41] =	vst.msk $0xffff, v60;
	s17 =	simm.s32 @p1 $0x0;
	s18 =	simm.s32 @p2 $0x0;
	(pc) =	sbr.rel .LBB1_5-.Ltmp4, $4  }
0x54: {  	s29 =	sand.u32 $0xF, s28;
	[tilespmem:s19+$0x1450 ss:$0x41] =	vst.msk $0xffff, v61;
	s20 =	ssub.s32 s20, s23;
	s17 =	smul.u32 s18, s17  }
0x55: {  	[tilespmem:s19+$0x1860 ss:$0x41] =	vst.msk $0xffff, v62;
	s21 =	sshll.u32 s30, $0x12;
	s20 =	sshll.u32 s20, $0x4;
	s18 =	sadd.s32 s5, s29  }
0x56: {  	[tilespmem:s19+$0x0 ss:$0x41] =	vst.msk $0xffff, v63;
	s31 =	sor.u32 $0x40, s21;
	s18 =	sadd.s32 s20, s18;
	s17 =	sand.u32 $0x3FFFFFFF, s17  }
0x57: {  	[hbm4b:s18+s31] =	stream.strided.scatter [tilespmem:s16], [sflag:$0x2], s17, s8, s31, $0x18;
	[tilespmem:$0x8100] =	vst v63  }
.LBB1_6:
0x58: {  	_ =	sfence.sel $0x180000  }
0x59: {  	s2 =	simm.s32 $0x1;
	[bflag:$0x0] =	sbarrier.arrive $0xFFFF  }
0x5a: {  	s31 =	simm.s32 $0x2;
	[sflag:s2] =	ssyncpa.u1 $0x1  }
0x5b: {  	[sflag:s31] =	ssyncpa.u1 $0x1  }
0x5c: {  	p0 =	sne.s32 s1, $0x0;
	_ =	strace $0x90000047  }
0x5d: {  	s0 =	sadd.s32 @!p0 $0x100000, s0;
	[bflag:$0x2] =	sbarrier.arrive $0xFFFF  }
0x5e: {  	[sflag:s0] =	ssyncadd.tile.s32 @!p0 $0x1;
	_ =	shalt  }
.Lfunc_end1:
_tile_overlayer_lowered:
.L_overlay_start_2:
0x5f: {  	(tag) =	ssettag $0x2  }
0x60: {  	s0 =	rddreg [dreg:$0x0];
	s2 =	stileid.u32  }
0x61: {  	s1 =	rddreg [dreg:$0x1];
	p0 =	sne.s32 s2, $0x0  }
0x62: {  	s3 =	rddreg [dreg:$0x2];
	[bflag:$0x3] =	sbarrier.arrive $0xFFFF;
	s2 =	simm.s32 @!p0 $0x1C01  }
0x63: {  	[timem:s3], [sflag:s2] =	dma.local @!p0 [hbm:s0], s1  }
0x64: {  	s0 =	simm.s32 @!p0 $0x1  }
0x65: {  	_ =	swait.ge @!p0 [sflag:s0], s1  }
0x66: {  	s1 =	ssub.s32 @!p0 $0x0, s1;
	[sflag:s0] =	ssyncset.done @!p0 $0x0  }
0x67: {  	[sflag:s0] =	ssyncadd.s32 @!p0 s1  }
0x68: {  	[bflag:$0x3] =	sbarrier.arrive $0xFFFF  }
0x69: {  	_ =	shalt  }

// kernel: sparse-core-data-format-call.cloned.1.call-start
scs
called_computation_lowered:
.L_overlay_start_0:
0x0: {  	s2 =	sld [smem:$0x3FD9]  }
0x1: {  	s3 =	sld [smem:$0x3FFE];
	_ =	sdelay $0x1  }
0x2: {  	s1 =	srdreg.scid  }
0x3: {  	s0 =	sand.u32 $0x1, s1  }
0x4: {  	s18 =	sshll.u32 s0, $0xA;
	s2 =	sadd.s32 s3, s2  }
0x5: {  	s2 =	sadd.s32 s2, s18  }
0x6: {  	[smem:$0x3FC4] =	sst s2  }
0x7: {  	_ = 	snop  }
0x8: {  	(tm) =	ssettm $0x1  }
0x9: {  	s19 =	sld [smem:$0x3FFB];
	_ =	sdelay $0x3  }
0xa: {  	_ =	strace s19  }
0xb: {  	s2 =	sld [smem:$0x3FFC];
	_ =	sdelay $0x3  }
0xc: {  	_ =	strace s2  }
0xd: {  	s2 =	sld [smem:$0x3FFD];
	_ =	sdelay $0x3  }
0xe: {  	_ =	strace s2  }
0xf: {  	_ =	strace $0x8FFFFFFF  }
0x10: {  	s20 =	sld [smem:$0x3FDB];
	_ =	sdelay $0x1  }
0x11: {  	s21 =	simm.s32 $_scs_section_size  }
0x12: {  	s4 =	simm.s32 $_size__tile_overlayer_lowered;
	s5 =	simm.s32 $_tile_overlayer_lowered  }
0x13: {  	s6 =	simm.s32 $0x1BFF;
	s22 =	sshll.u32 s5, $0x1;
	s3 =	sadd.s32 s21, s20  }
0x14: {  	s23 =	simm.s32 $0x0;
	s4 =	sshll.u32 s4, $0x1;
	s5 =	sadd.s32 s22, s3  }
0x15: {  	[timem:s23], [sflag:s6] =	dma.local [hbm:s5], s4  }
0x16: {  	_ =	swait.ge [sflag:s6], s4  }
0x17: {  	s4 =	ssub.s32 $0x0, s4;
	[sflag:s6] =	ssyncset.done $0x0  }
0x18: {  	[sflag:s6] =	ssyncadd.s32 s4;
	_ =	sdelay $0x1  }
0x19: {  	s24 =	simm.s32 $0x1B8B  }
0x1a: {  	_ =	swait.ge [sflag:s24], $0x1  }
0x1b: {  	[sflag:s24] =	ssyncset.done $0x0  }
0x1c: {  	[sflag:s24] =	ssyncadd.s32 $0xFFFFFFFF  }
0x1d: {  	s4 =	sld [smem:$0x0]  }
0x1e: {  	s5 =	sand.u32 $0xFFFFFFFE, s1  }
0x1f: {  	p0 =	sne.s32 s1, s5  }
0x20: {  	s5 =	sshll.u32 @p0 s5, $0xE  }
0x21: {  	s5 =	sadd.s32 @p0 $0x11B8D, s5;
	s6 =	sshll.u32 @p0 s4, $0x11  }
0x22: {  	s5 =	sor.u32 @p0 s6, s5  }
0x23: {  	[sflag:s5] =	ssyncadd.remote.s32 @p0 $0x1;
	_ =	sdelay $0x1  }
0x24: {  	s5 =	simm.s32 @p0 $0x1B8D  }
0x25: {  	_ =	swait.eq @p0 [sflag:s5], $0x1  }
0x26: {  	[sflag:s5] =	ssyncadd.s32 @p0 $0xFFFFFFFF  }
0x27: {  	s6 =	sshll.u32 @!p0 s1, $0xE  }
0x28: {  	s6 =	sor.u32 @!p0 $0x4000, s6;
	s5 =	simm.s32 @!p0 $0x1B8D  }
0x29: {  	s4 =	sshll.u32 @!p0 s4, $0x11;
	s6 =	sadd.s32 @!p0 $0x11B8D, s6;
	_ =	swait.eq @!p0 [sflag:s5], $0x1  }
0x2a: {  	s4 =	sor.u32 @!p0 s4, s6;
	[sflag:s5] =	ssyncadd.s32 @!p0 $0xFFFFFFFF  }
0x2b: {  	s26 =	simm.s32 $0x1B8E;
	s25 =	sld [smem:$0x3FFE];
	[sflag:s4] =	ssyncadd.remote.s32 @!p0 $0x1  }
0x2c: {  	s27 =	simm.s32 $execute0_lowered;
	[smem:$0x3FD2] =	sst s26  }
0x2d: {  	s5 =	sshll.u32 s27, $0x1;
	_ =	strace $0x80000049;
	[dreg:$0x1] =	wrdreg $0xFFFFFFFF  }
0x2e: {  	s28 =	simm.s32 $_size_execute0_lowered;
	s3 =	sadd.s32 s3, s5;
	[dreg:$0x0] =	wrdreg $0x0  }
0x2f: {  	s5 =	sshll.u32 s28, $0x1;
	[dreg:$0x2] =	wrdreg s3  }
0x30: {  	[dreg:$0x3] =	wrdreg s5  }
0x31: {  	[dreg:$0x4] =	wrdreg $0xC0  }
0x32: {  	_ =	task [dreg:s23], $0x5FFFF  }
0x33: {  	[dreg:$0x1] =	wrdreg $0xFFFFFFFF  }
0x34: {  	[dreg:$0x0] =	wrdreg $0x60  }
0x35: {  	[dreg:$0x2] =	wrdreg s25  }
0x36: {  	[dreg:$0x3] =	wrdreg $0x9  }
0x37: {  	_ =	task.clear_ibuf [dreg:s23], $0x4FFFF;
	_ =	strace $0x90000049  }
0x38: {  	s29 =	simm.s32 $0x9;
	_ =	strace $0x8000004B  }
0x39: {  	_ =	swait.ge [sflag:s29], $0x1  }
0x3a: {  	[sflag:s29] =	ssyncadd.s32 $0xFFFFFFFF  }
0x3b: {  	_ =	strace $0x9000004B  }
0x3c: {  	_ =	sfence  }
0x3d: {  	s30 =	sld [smem:$0x0];
	_ =	sdelay $0x2  }
0x3e: {  	s31 =	sshll.u32 s1, $0xD;
	s1 =	sshrl.u32 s1, $0x2  }
0x3f: {  	s4 =	sand.u32 $0x4000, s31;
	s1 =	sadd.s32 s1, s30  }
0x40: {  	s0 =	sor.u32 s4, s0;
	s1 =	sshll.u32 s1, $0x11  }
0x41: {  	s0 =	sor.u32 s1, s0  }
0x42: {  	s0 =	sadd.s32 $0x8F2B, s0  }
0x43: {  	[sflag:s0] =	ssyncadd.remote.s32 $0x1  }
0x44: {  	_ =	sfence.sel $0xFFFF  }
0x45: {  	[dreg:$0x0] =	wrdreg $0xFFFFFFFF;
	(pc) =	sbr.abs _section_cstart, $3  }
0x46: {  	[dreg:$0x1] =	wrdreg $0xFFFFFFFF  }
0x47: {  	_ =	task.clear_ibuf [dreg:s23], $0x2FFFF;
	_ =	strace $0x9FFFFFFF  }
0x48: {  	(tm) =	ssettm $0x7FFFFFFF  }
0x49: {  	_ =	shalt  }
tec
execute0_lowered:
.L_overlay_start_1:
0x0: {  	(tag) =	ssettag $0x1  }
0x1: {  	s0 =	srdreg.scid  }
0x2: {  	s5 =	rddreg [dreg:$0x0];
	s1 =	stileid.u32;
	s4 =	simm.s32 $0x1  }
0x3: {  	s6 =	simm.s32 $0x2;
	s15 =	simm.s32 $0x0;
	p0 =	por $0x0, $0x0  }
0x4: {  	s8 =	simm.s32 $0x80;
	s14 =	simm.s32 $0x0;
	s2 =	sshll.u32 s0, $0x4  }
0x5: {  	s9 =	simm.s32 $0x0;
	s10 =	simm.s32 $0x0;
	s2 =	sand.u32 $0x10, s2  }
.Ltmp0:
0x6: {  	s12 =	simm.s32 $0x0;
	s3 =	sor.u32 s1, s2;
	(pc) =	sbr.rel .LBB1_1-.Ltmp0, $4  }
0x7: {  	s0 =	rddreg [dreg:$0x1];
	_ =	strace $0x8000004A;
	s3 =	sshll.u32 s3, $0x7  }
0x8: {  	s13 =	simm.s32 $0x0;
	[sflag:s4] =	ssyncpa.u1 $0x0;
	s7 =	ssub.s32 $0x7A100, s3  }
0x9: {  	s2 =	sadd.s32 $0xB73600, s5;
	[sflag:s6] =	ssyncpa.u1 $0x0;
	s6 =	sshrl.u32 s7, $0xC  }
0xa: {  	s5 =	sadd.s32 $0xF44200, s5;
	s11 =	smov.u32 s3;
	s7 =	sadd.s32 $0x2, s6  }
.LBB1_5:
0xb: {  	p1 =	slt.u32 s13, $0x2  }
0xc: {  	s17 =	smov.u32 s15;
	p2 =	sgt.s32 @!p1 s15, $0x7A0A0;
	s16 =	sshra.s32 @!p1 s15, $0x1F  }
0xd: {  	p3 =	sgt.s32 @!p1 s14, $0x40;
	s18 =	sshra.s32 @!p1 s14, $0x1F;
	p2 =	por !p2, p1  }
0xe: {  	s15 =	sand.u32 @!p1 s16, s15;
	p3 =	por !p3, p1;
	s16 =	smov.u32 s14  }
0xf: {  	s14 =	sand.u32 @!p1 s18, s14;
	s17 =	simm.s32 @p2 $0x7A0A0;
	s16 =	simm.s32 @p3 $0x40  }
0x10: {  	s15 =	ssub.s32 @!p1 s17, s15;
	s14 =	ssub.s32 @!p1 s16, s14  }
0x11: {  	s18 =	smov.u32 s12;
	s16 =	sadd.s32 @!p1 $0xFFF85F60, s15;
	s17 =	sadd.s32 @!p1 $0xFFFFFFC0, s14  }
0x12: {  	s15 =	ssub.s32 @!p1 $0x7A120, s15;
	p2 =	sgt.s32 @!p1 s16, $0x7F;
	p3 =	sgt.s32 @!p1 s17, $0x3F  }
0x13: {  	s14 =	ssub.s32 @!p1 $0x80, s14;
	p2 =	por !p2, p1;
	p3 =	por !p3, p1  }
0x14: {  	s16 =	sadd.s32 $0x1000, s11;
	s15 =	simm.s32 @!p2 $0x0;
	s14 =	simm.s32 @!p3 $0x0  }
0x15: {  	p2 =	sgt.s32 s16, $0x7A11F;
	s14 =	smul.u32 @!p1 s14, s15;
	s15 =	sadd.s32 $0x40, s12  }
0x16: {  	s18 =	smov.u32 @p2 s15  }
0x17: {  	s16 =	smov.u32 @p2 s3;
	p2 =	sgt.s32 s18, $0x3F  }
0x18: {  	s18 =	simm.s32 @p2 $0x0;
	p2 =	sne.s32 s13, s7  }
.Ltmp1:
0x19: {  	p0 =	por !p0, !p0;
	s17 =	simm.s32 @!p1 $0x2;
	(pc) =	sbr.rel @!p2 .LBB1_6-.Ltmp1, $4  }
0x1a: {  	s15 =	smov.u32 s9;
	s9 =	smov.u32 s11;
	s14 =	sand.u32 @!p1 $0x3FFFFFFF, s14  }
0x1b: {  	s11 =	smov.u32 s16;
	_ =	swait.ge @!p1 [sflag:s17], s14;
	s19 =	ssub.s32 @!p1 $0x0, s14  }
0x1c: {  	s14 =	smov.u32 s10;
	s13 =	sadd.s32 $0x1, s13;
	[sflag:s17] =	ssyncset.done @!p1 $0x0  }
0x1d: {  	s10 =	smov.u32 s12;
	s12 =	smov.u32 s18;
	[sflag:s17] =	ssyncadd.s32 @!p1 s19  }
.LBB1_1:
0x1e: {  	p1 =	sgt.u32 s13, s6  }
0x1f: {  	s16 =	sshrl.u32 @!p1 s12, $0x3  }
0x20: {  	s17 =	sshll.u32 @!p1 s11, $0x3;
	s16 =	smul.u32 @!p1 $0x3D0C00, s16  }
0x21: {  	s18 =	sshll.u32 @!p1 s12, $0x7;
	s17 =	sand.u32 @!p1 $0xFFFFFC00, s17  }
0x22: {  	s16 =	sadd.s32 @!p1 s16, s17;
	s17 =	sand.u32 @!p1 $0x380, s18  }
0x23: {  	s16 =	sor.u32 @!p1 s17, s16  }
0x24: {  	s17 =	sshrl.u32 @!p1 s16, $0x7  }
0x25: {  	s17 =	smulhi.u32 @!p1 $0x10C6249, s17;
	_ =	sdelay $0x1  }
0x26: {  	s17 =	sshrl.u32 @!p1 s17, $0x4  }
0x27: {  	s18 =	sand.u32 @!p1 $0x7F, s11;
	s19 =	smul.u32 @!p1 $0x7A180, s17  }
0x28: {  	s16 =	sor.u32 @!p1 s18, s16;
	s18 =	sxor.u32 @!p1 $0xFFFFFFFF, s13  }
0x29: {  	s18 =	sshll.u32 @!p1 s18, $0xD;
	s17 =	sand.u32 @!p1 $0x3F, s17;
	s16 =	ssub.s32 @!p1 s16, s19  }
0x2a: {  	s17 =	smul.u32 @!p1 $0xF430, s17;
	s19 =	sshrl.u32 @!p1 s16, $0x3;
	s16 =	sand.u32 @!p1 $0x7, s16  }
0x2b: {  	s18 =	sand.u32 @!p1 $0x2000, s18;
	s19 =	sadd.s32 @!p1 s2, s19;
	s16 =	sshll.u32 @!p1 s16, $0x12  }
0x2c: {  	s17 =	sadd.s32 @!p1 s17, s19;
	s16 =	sor.u32 @!p1 $0x400, s16;
	s19 =	simm.s32 @!p1 $0x3D0C00  }
0x2d: {  	[tilespmem:s18], [sflag:$0x1] =	stream.strided.gather @!p1 [hbm4b:s17+s16], $0x2000, s19, s16, $0x38;
	[tilespmem:$0x8100] =	vst v63  }
0x2e: {  	p1 =	seq.s32 s13, $0x0  }
0x2f: {  	p2 =	sge.u32 @!p1 s13, s7  }
0x30: {  	p1 =	por p1, p2  }
.Ltmp2:
0x31: {  	_ = 	snop;
	(pc) =	sbr.rel @p1 .LBB1_5-.Ltmp2, $1  }
0x32: {  	_ =	sdelay $0x3  }
0x33: {  	s16 =	simm.s32 $0x1  }
0x34: {  	_ =	swait.ge [sflag:s4], $0x2000;
	s16 =	simm.s32 @!p0 $0x0  }
0x35: {  	[sflag:s4] =	ssyncset.done $0x0;
	s17 =	sshll.u32 s16, $0xD  }
0x36: {  	[sflag:s4] =	ssyncadd.s32 $0xFFFFE000;
	s17 =	sor.u32 $0x40, s17  }
0x37: {  	s16 =	smul.u32 $0x8200, s16;
	v0 =	vld [tilespmem:s17+$0x30]  }
0x38: {  	v1 =	vld [tilespmem:s17+$0xFFFFFFD0]  }
0x39: {  	s16 =	sshrl.u32 s16, $0x2;
	v5 =	vld [tilespmem:s17+$0xFFFFFFE0]  }
0x3a: {  	v6 =	vld [tilespmem:s17+$0xFFFFFFF0];
	s19 =	sor.u32 $0x4000, s16  }
0x3b: {  	s31 =	sand.u32 $0x1, s13;
	v4 =	vld [tilespmem:s17+$0x0];
	s18 =	sadd.s32 $0x0, s19  }
0x3c: {  	v3 =	vld [tilespmem:s17+$0x10];
	s16 =	smul.u32 $0x8200, s31;
	[tilespmem:s18+$0x1C70 ss:$0x41] =	vst.msk $0xffff, v0  }
0x3d: {  	v2 =	vld [tilespmem:s17+$0x20];
	[tilespmem:s18+$0x410 ss:$0x41] =	vst.msk $0xffff, v1  }
0x3e: {  	s16 =	sshrl.u32 s16, $0x2;
	v1 =	vld [tilespmem:s17+$0xFFFFFFC0];
	[tilespmem:s18+$0x820 ss:$0x41] =	vst.msk $0xffff, v5;
	s17 =	sadd.s32 $0x80, s17  }
0x3f: {  	s20 =	simm.s32 $0x4;
	s21 =	simm.s32 $0x8;
	s16 =	sor.u32 $0x4000, s16;
	[tilespmem:s18+$0xC30 ss:$0x41] =	vst.msk $0xffff, v6;
	v0 =	vld [tilespmem:s17+$0x30]  }
.LBB1_3:
0x40: {  	p1 =	sne.s32 s21, $0xFC;
	v5 =	vld [tilespmem:s17+$0xFFFFFFD0];
	[tilespmem:s18+$0x1040 ss:$0x41] =	vst.msk $0xffff, v4  }
0x41: {  	v6 =	vld [tilespmem:s17+$0xFFFFFFE0];
	[tilespmem:s18+$0x1450 ss:$0x41] =	vst.msk $0xffff, v3  }
0x42: {  	s22 =	sshra.s32 s20, $0x2;
	s20 =	smov.u32 s21;
	v7 =	vld [tilespmem:s17+$0xFFFFFFF0];
	[tilespmem:s18+$0x1860 ss:$0x41] =	vst.msk $0xffff, v2  }
.Ltmp3:
0x43: {  	v4 =	vld [tilespmem:s17+$0x0];
	[tilespmem:s18+$0x0 ss:$0x41] =	vst.msk $0xffff, v1;
	s18 =	sadd.s32 s22, s19;
	(pc) =	sbr.rel @p1 .LBB1_3-.Ltmp3, $4  }
0x44: {  	v3 =	vld [tilespmem:s17+$0x10];
	[tilespmem:s18+$0x1C70 ss:$0x41] =	vst.msk $0xffff, v0  }
0x45: {  	[tilespmem:s18+$0x410 ss:$0x41] =	vst.msk $0xffff, v5;
	v2 =	vld [tilespmem:s17+$0x20]  }
0x46: {  	v1 =	vld [tilespmem:s17+$0xFFFFFFC0];
	[tilespmem:s18+$0x820 ss:$0x41] =	vst.msk $0xffff, v6;
	s17 =	sadd.s32 $0x80, s17  }
0x47: {  	s21 =	sadd.s32 $0x4, s21;
	v0 =	vld [tilespmem:s17+$0x30];
	[tilespmem:s18+$0xC30 ss:$0x41] =	vst.msk $0xffff, v7  }
0x48: {  	s21 =	sshll.u32 s9, $0x7;
	s22 =	sshll.u32 s10, $0x3;
	s20 =	sshra.s32 s20, $0x2  }
0x49: {  	p1 =	sgt.s32 s9, $0x7A0A0;
	s30 =	sshra.s32 s9, $0x1F;
	s25 =	sshra.s32 s10, $0x1F  }
0x4a: {  	v5 =	vld [tilespmem:s17+$0xFFFFFFD0];
	s28 =	sshrl.u32 s10, $0x3;
	s23 =	sand.u32 $0xFFFFFC00, s21;
	s22 =	sand.u32 $0xFFFFFC00, s22  }
0x4b: {  	[tilespmem:s18+$0x1040 ss:$0x41] =	vst.msk $0xffff, v4;
	v58 =	vld [tilespmem:s17+$0xFFFFFFE0];
	s21 =	sand.u32 $0x380, s21;
	s19 =	sadd.s32 s20, s19;
	s22 =	sadd.s32 s22, s23  }
0x4c: {  	v59 =	vld [tilespmem:s17+$0xFFFFFFF0];
	[tilespmem:s18+$0x1450 ss:$0x41] =	vst.msk $0xffff, v3;
	s29 =	sor.u32 s21, s22;
	s21 =	smov.u32 s9;
	s22 =	sand.u32 s30, s9  }
0x4d: {  	v60 =	vld [tilespmem:s17+$0x0];
	[tilespmem:s18+$0x1860 ss:$0x41] =	vst.msk $0xffff, v2;
	s30 =	sand.u32 $0x7, s10;
	s20 =	sshrl.u32 s29, $0x7;
	s21 =	simm.s32 @!p1 $0x7A0A0  }
0x4e: {  	v61 =	vld [tilespmem:s17+$0x10];
	[tilespmem:s18+$0x0 ss:$0x41] =	vst.msk $0xffff, v1;
	p1 =	sgt.s32 s10, $0x40;
	s24 =	ssub.s32 s21, s22;
	s21 =	smov.u32 s10  }
0x4f: {  	v62 =	vld [tilespmem:s17+$0x20];
	[tilespmem:s19+$0x1C70 ss:$0x41] =	vst.msk $0xffff, v0;
	s31 =	smulhi.u32 $0x218DEF5, s20;
	s22 =	sand.u32 s25, s10;
	s21 =	simm.s32 @!p1 $0x40  }
0x50: {  	v63 =	vld [tilespmem:s17+$0xFFFFFFC0];
	[tilespmem:s19+$0x410 ss:$0x41] =	vst.msk $0xffff, v5;
	s26 =	sadd.s32 $0xFFF85F60, s24;
	s17 =	ssub.s32 $0x7A120, s24;
	s21 =	ssub.s32 s21, s22  }
0x51: {  	[tilespmem:s19+$0x820 ss:$0x41] =	vst.msk $0xffff, v58;
	s23 =	sshrl.u32 s31, $0xC;
	p1 =	sgt.s32 s26, $0x7F;
	s27 =	sadd.s32 $0xFFFFFFC0, s21  }
0x52: {  	[tilespmem:s19+$0xC30 ss:$0x41] =	vst.msk $0xffff, v59;
	s23 =	smul.u32 $0x7A120, s23;
	s18 =	ssub.s32 $0x80, s21;
	p2 =	sgt.s32 s27, $0x3F  }
.Ltmp4:
0x53: {  	[tilespmem:s19+$0x1040 ss:$0x41] =	vst.msk $0xffff, v60;
	s17 =	simm.s32 @p1 $0x0;
	s18 =	simm.s32 @p2 $0x0;
	(pc) =	sbr.rel .LBB1_5-.Ltmp4, $4  }
0x54: {  	s29 =	sand.u32 $0xF, s28;
	[tilespmem:s19+$0x1450 ss:$0x41] =	vst.msk $0xffff, v61;
	s20 =	ssub.s32 s20, s23;
	s17 =	smul.u32 s18, s17  }
0x55: {  	[tilespmem:s19+$0x1860 ss:$0x41] =	vst.msk $0xffff, v62;
	s21 =	sshll.u32 s30, $0x12;
	s20 =	sshll.u32 s20, $0x4;
	s18 =	sadd.s32 s5, s29  }
0x56: {  	[tilespmem:s19+$0x0 ss:$0x41] =	vst.msk $0xffff, v63;
	s31 =	sor.u32 $0x40, s21;
	s18 =	sadd.s32 s20, s18;
	s17 =	sand.u32 $0x3FFFFFFF, s17  }
0x57: {  	[hbm4b:s18+s31] =	stream.strided.scatter [tilespmem:s16], [sflag:$0x2], s17, s8, s31, $0x18;
	[tilespmem:$0x8100] =	vst v63  }
.LBB1_6:
0x58: {  	_ =	sfence.sel $0x180000  }
0x59: {  	s2 =	simm.s32 $0x1;
	[bflag:$0x0] =	sbarrier.arrive $0xFFFF  }
0x5a: {  	s31 =	simm.s32 $0x2;
	[sflag:s2] =	ssyncpa.u1 $0x1  }
0x5b: {  	[sflag:s31] =	ssyncpa.u1 $0x1  }
0x5c: {  	p0 =	sne.s32 s1, $0x0;
	_ =	strace $0x9000004A  }
0x5d: {  	s0 =	sadd.s32 @!p0 $0x100000, s0;
	[bflag:$0x2] =	sbarrier.arrive $0xFFFF  }
0x5e: {  	[sflag:s0] =	ssyncadd.tile.s32 @!p0 $0x1;
	_ =	shalt  }
.Lfunc_end1:
_tile_overlayer_lowered:
.L_overlay_start_2:
0x5f: {  	(tag) =	ssettag $0x2  }
0x60: {  	s0 =	rddreg [dreg:$0x0];
	s2 =	stileid.u32  }
0x61: {  	s1 =	rddreg [dreg:$0x1];
	p0 =	sne.s32 s2, $0x0  }
0x62: {  	s3 =	rddreg [dreg:$0x2];
	[bflag:$0x3] =	sbarrier.arrive $0xFFFF;
	s2 =	simm.s32 @!p0 $0x1C01  }
0x63: {  	[timem:s3], [sflag:s2] =	dma.local @!p0 [hbm:s0], s1  }
0x64: {  	s0 =	simm.s32 @!p0 $0x1  }
0x65: {  	_ =	swait.ge @!p0 [sflag:s0], s1  }
0x66: {  	s1 =	ssub.s32 @!p0 $0x0, s1;
	[sflag:s0] =	ssyncset.done @!p0 $0x0  }
0x67: {  	[sflag:s0] =	ssyncadd.s32 @!p0 s1  }
0x68: {  	[bflag:$0x3] =	sbarrier.arrive $0xFFFF  }
0x69: {  	_ =	shalt  }

</sc_bundles>
